<compile_context>
chip_gen: v7x
topology: tpu7x:2x2x1
jax: 0.10.2.dev20260603
libtpu: 0.0.44.dev20260713+nightly
codegen_flags: <defaults>
</compile_context>

<pallas_src>
import functools

import jax
import jax.numpy as jnp
from jax import lax
from jax.experimental import pallas as pl
from jax.experimental.pallas import tpu as pltpu
from jax.experimental.pallas import tpu_sc as plsc

_MARGIN = 0.2
_NC = 2
_NS = 16
_NW = _NC * _NS
_L = 16
_D = 128
_G = 128
_T = 131072
_STEPS = _T // (_NW * _G)
_TRI_UNROLL = 2


def _make_tri_call():
    mesh = plsc.VectorSubcoreMesh(
        core_axis_name="c", subcore_axis_name="s",
        num_cores=_NC, num_subcores=_NS)

    @functools.partial(
        pl.kernel,
        out_type=jax.ShapeDtypeStruct((_NW, _L), jnp.float32),
        mesh=mesh,
        compiler_params=pltpu.CompilerParams(needs_layout_passes=False),
        scratch_types=[
            pltpu.VMEM((_STEPS, 3, _G), jnp.int32),
            pltpu.VMEM((_G, _D), jnp.float32),
            pltpu.VMEM((_G, _D), jnp.float32),
            pltpu.VMEM((_G, _D), jnp.float32),
            pltpu.VMEM((_G, _D), jnp.float32),
            pltpu.VMEM((_G, _D), jnp.float32),
            pltpu.VMEM((_G, _D), jnp.float32),
            pltpu.VMEM((_L,), jnp.float32),
            pltpu.SemaphoreType.DMA,
            pltpu.SemaphoreType.DMA,
        ],
    )
    def tri_kernel(batch_hbm, idx_hbm, out_hbm,
                   idx_all, a0, p0, n0, a1, p1, n1, out_v, sem0, sem1):
        wid = lax.axis_index("s") * _NC + lax.axis_index("c")
        bufs = ((a0, p0, n0), (a1, p1, n1))
        sems = (sem0, sem1)

        pltpu.sync_copy(idx_hbm.at[wid, 0], idx_all.at[0])

        def start(step, b):
            for j in range(3):
                pltpu.async_copy(batch_hbm.at[idx_all.at[step, j]],
                                 bufs[b][j], sems[b])

        def wait(step, b):
            for j in range(3):
                pltpu.make_async_copy(batch_hbm.at[idx_all.at[step, j]],
                                      bufs[b][j], sems[b]).wait()

        def compute(b, acc):
            a_ref, p_ref, n_ref = bufs[b]

            def one_triplet(i):
                s0 = jnp.zeros((_L,), jnp.float32)
                s1 = jnp.zeros((_L,), jnp.float32)
                for c in range(_D // _L):
                    sl = pl.ds(c * _L, _L)
                    av = a_ref[i, sl]
                    pv = p_ref[i, sl]
                    nv = n_ref[i, sl]
                    dp = av - pv
                    dn = av - nv
                    t = dp * dp - dn * dn
                    if c % 2 == 0:
                        s0 = s0 + t
                    else:
                        s1 = s1 + t
                tot = jnp.sum(s0 + s1)
                return jnp.maximum(tot + _MARGIN, 0.0)

            def body(it, a):
                for k in range(_TRI_UNROLL):
                    a = a + one_triplet(it * _TRI_UNROLL + k)
                return a

            return lax.fori_loop(0, _G // _TRI_UNROLL, body, acc)

        start(0, 0)
        pltpu.sync_copy(idx_hbm.at[wid, pl.ds(1, _STEPS - 1)],
                        idx_all.at[pl.ds(1, _STEPS - 1)])
        acc0 = jnp.float32(0.0)

        def outer(s2, acc):
            step = 2 * s2
            start(step + 1, 1)
            wait(step, 0)
            acc = compute(0, acc)

            @pl.when(s2 + 1 < _STEPS // 2)
            def _():
                start(step + 2, 0)

            wait(step + 1, 1)
            acc = compute(1, acc)
            return acc

        acc0 = lax.fori_loop(0, _STEPS // 2, outer, acc0)
        out_v[...] = jnp.where(lax.iota(jnp.int32, _L) == 0, acc0, 0.0)
        pltpu.sync_copy(out_v, out_hbm.at[wid])

    return tri_kernel


_tri_call = _make_tri_call()


def kernel(batch, labels, triplets, step):
    del labels, step
    idx_arr = triplets.reshape(_NW, _STEPS, _G, 3).transpose(0, 1, 3, 2)
    partials = _tri_call(batch, idx_arr)
    return jnp.sum(partials) / jnp.float32(_T)

# --- scband reference (transcript-rebuilt; emitter-appended) ---
"""Pipeline reference for scband-criterion-47029891891454 (READ-ONLY COPY).

The authoritative reference and input builder live on the scoring server;
editing this copy changes nothing except your own understanding.
"""

import jax, jax.numpy as jnp
import numpy as np

MARGIN = 0.2

def setup_inputs(seed: int = 0) -> dict:
    key = jax.random.key(seed)
    k1, k2, k3 = jax.random.split(key, 3)
    batch = jax.random.normal(k1, (16384, 128), dtype=jnp.float32)
    labels = jax.random.randint(k2, (16384,), 0, 1000, dtype=jnp.int64) if jax.config.jax_enable_x64 else jax.random.randint(k2, (16384,), 0, 1000, dtype=jnp.int32)
    triplets = jax.random.randint(k3, (131072, 3), 0, 16384, dtype=jnp.int32)
    return {"batch": batch, "labels": labels, "triplets": triplets, "step": 0}

def reference(batch, labels, triplets, step):
    # batchminer output modeled as explicit triplet index tensor [T, 3] = (anchor, positive, negative)
    a = jnp.take(batch, triplets[:, 0], axis=0)
    p = jnp.take(batch, triplets[:, 1], axis=0)
    n = jnp.take(batch, triplets[:, 2], axis=0)
    d_ap = jnp.sum((a - p) ** 2, axis=1)
    d_an = jnp.sum((a - n) ** 2, axis=1)
    loss = jax.nn.relu(d_ap - d_an + MARGIN)
    return jnp.mean(loss)

if __name__ == "__main__":
    import jax
    _d = setup_inputs()
    print(jax.jit(kernel)(*tuple(_d.values())))

</pallas_src>

<mosaic_0001>
#map = affine_map<(d0, d1) -> (0, 0)>
#map1 = affine_map<(d0, d1) -> (0, 0, 0, 0)>
module attributes {stable_mosaic.version = 14 : i64} {
  func.func @tri_kernel(%arg0: i32, %arg1: i32, %arg2: memref<16384x128xf32, #tpu.memory_space<hbm>>, %arg3: memref<32x32x3x128xi32, #tpu.memory_space<hbm>>, %arg4: memref<32x16xf32, #tpu.memory_space<hbm>>, %arg5: memref<32x3x128xi32, #tpu.memory_space<vmem>>, %arg6: memref<128x128xf32, #tpu.memory_space<vmem>>, %arg7: memref<128x128xf32, #tpu.memory_space<vmem>>, %arg8: memref<128x128xf32, #tpu.memory_space<vmem>>, %arg9: memref<128x128xf32, #tpu.memory_space<vmem>>, %arg10: memref<128x128xf32, #tpu.memory_space<vmem>>, %arg11: memref<128x128xf32, #tpu.memory_space<vmem>>, %arg12: memref<16xf32, #tpu.memory_space<vmem>>, %arg13: memref<!tpu.dma_semaphore, #tpu.memory_space<semaphore_mem>>, %arg14: memref<!tpu.dma_semaphore, #tpu.memory_space<semaphore_mem>>) attributes {dimension_semantics = [#tpu.dimension_semantics<core_parallel>, #tpu.dimension_semantics<subcore_parallel>], iteration_bounds = array<i64: 2, 16>, scalar_prefetch = 0 : i64, scratch_operands = 10 : i64, tpu.core_type = #tpu.core_type<sc_vector_subcore>, window_params = [{transform_indices = #map}, {transform_indices = #map1}, {transform_indices = #map}]} {
    %mul3A = arith.constant 2 : i32
    %mul3A_0 = arith.muli %arg1, %mul3A : i32
    %add3A = arith.addi %mul3A_0, %arg0 : i32
    %run_scoped3A = arith.constant 0 : i32
    %run_scoped3A_1 = arith.constant 0 : i32
    "tpu.region"() ({
      %run_scoped3A_35 = tpu.sem_alloc : memref<!tpu.dma_semaphore, #tpu.memory_space<semaphore_mem>>
      %dma_start3A_36 = arith.constant 0 : i32
      %dma_start3A_37 = arith.constant 0 : i32
      %dma_start3A_38 = tpu.memref_slice %arg5[%run_scoped3A_1, %dma_start3A_36, %dma_start3A_37] : memref<32x3x128xi32, #tpu.memory_space<vmem>> -> memref<1x3x128xi32, #tpu.memory_space<vmem>>
      %dma_start3A_39 = tpu.memref_squeeze %dma_start3A_38 : memref<1x3x128xi32, #tpu.memory_space<vmem>> -> memref<3x128xi32, #tpu.memory_space<vmem>>
      %dma_start3A_40 = arith.constant 0 : i32
      %dma_start3A_41 = arith.constant 0 : i32
      %dma_start3A_42 = tpu.memref_slice %arg3[%add3A, %run_scoped3A, %dma_start3A_40, %dma_start3A_41] : memref<32x32x3x128xi32, #tpu.memory_space<hbm>> -> memref<1x1x3x128xi32, #tpu.memory_space<hbm>>
      %dma_start3A_43 = tpu.memref_squeeze %dma_start3A_42 : memref<1x1x3x128xi32, #tpu.memory_space<hbm>> -> memref<3x128xi32, #tpu.memory_space<hbm>>
      %dma_start3A_44 = arith.constant 0 : i32
      %dma_start3A_45 = arith.constant 0 : i32
      %dma_start3A_46 = tpu.memref_slice %arg5[%run_scoped3A_1, %dma_start3A_44, %dma_start3A_45] : memref<32x3x128xi32, #tpu.memory_space<vmem>> -> memref<1x3x128xi32, #tpu.memory_space<vmem>>
      %dma_start3A_47 = tpu.memref_squeeze %dma_start3A_46 : memref<1x3x128xi32, #tpu.memory_space<vmem>> -> memref<3x128xi32, #tpu.memory_space<vmem>>
      %dma_start3A_48 = arith.constant 0 : i32
      %dma_start3A_49 = arith.constant 0 : i32
      %dma_start3A_50 = tpu.memref_slice %arg3[%add3A, %run_scoped3A, %dma_start3A_48, %dma_start3A_49] : memref<32x32x3x128xi32, #tpu.memory_space<hbm>> -> memref<1x1x3x128xi32, #tpu.memory_space<hbm>>
      %dma_start3A_51 = tpu.memref_squeeze %dma_start3A_50 : memref<1x1x3x128xi32, #tpu.memory_space<hbm>> -> memref<3x128xi32, #tpu.memory_space<hbm>>
      tpu.enqueue_dma source(%dma_start3A_51 : memref<3x128xi32, #tpu.memory_space<hbm>>) target(%dma_start3A_47 : memref<3x128xi32, #tpu.memory_space<vmem>>) target_semaphore(%run_scoped3A_35 : memref<!tpu.dma_semaphore, #tpu.memory_space<semaphore_mem>>)
      %dma_wait3A = arith.constant 0 : i32
      %dma_wait3A_52 = arith.constant 0 : i32
      %dma_wait3A_53 = tpu.memref_slice %arg5[%run_scoped3A_1, %dma_wait3A, %dma_wait3A_52] : memref<32x3x128xi32, #tpu.memory_space<vmem>> -> memref<1x3x128xi32, #tpu.memory_space<vmem>>
      %dma_wait3A_54 = tpu.memref_squeeze %dma_wait3A_53 : memref<1x3x128xi32, #tpu.memory_space<vmem>> -> memref<3x128xi32, #tpu.memory_space<vmem>>
      %dma_wait3A_55 = arith.constant 0 : i32
      %dma_wait3A_56 = arith.constant 0 : i32
      %dma_wait3A_57 = tpu.memref_slice %arg3[%add3A, %run_scoped3A, %dma_wait3A_55, %dma_wait3A_56] : memref<32x32x3x128xi32, #tpu.memory_space<hbm>> -> memref<1x1x3x128xi32, #tpu.memory_space<hbm>>
      %dma_wait3A_58 = tpu.memref_squeeze %dma_wait3A_57 : memref<1x1x3x128xi32, #tpu.memory_space<hbm>> -> memref<3x128xi32, #tpu.memory_space<hbm>>
      %dma_wait3A_59 = arith.constant 0 : i32
      %dma_wait3A_60 = arith.constant 0 : i32
      %dma_wait3A_61 = tpu.memref_slice %arg5[%run_scoped3A_1, %dma_wait3A_59, %dma_wait3A_60] : memref<32x3x128xi32, #tpu.memory_space<vmem>> -> memref<1x3x128xi32, #tpu.memory_space<vmem>>
      %dma_wait3A_62 = tpu.memref_squeeze %dma_wait3A_61 : memref<1x3x128xi32, #tpu.memory_space<vmem>> -> memref<3x128xi32, #tpu.memory_space<vmem>>
      %dma_wait3A_63 = arith.constant 0 : i32
      %dma_wait3A_64 = arith.constant 0 : i32
      %dma_wait3A_65 = tpu.memref_slice %arg3[%add3A, %run_scoped3A, %dma_wait3A_63, %dma_wait3A_64] : memref<32x32x3x128xi32, #tpu.memory_space<hbm>> -> memref<1x1x3x128xi32, #tpu.memory_space<hbm>>
      %dma_wait3A_66 = tpu.memref_squeeze %dma_wait3A_65 : memref<1x1x3x128xi32, #tpu.memory_space<hbm>> -> memref<3x128xi32, #tpu.memory_space<hbm>>
      tpu.wait_dma2 semaphore(%run_scoped3A_35 : memref<!tpu.dma_semaphore, #tpu.memory_space<semaphore_mem>>) src(%dma_wait3A_66 : memref<3x128xi32, #tpu.memory_space<hbm>>) dst(%dma_wait3A_62 : memref<3x128xi32, #tpu.memory_space<vmem>>)
      tpu.yield
    }) : () -> ()
    %dma_start3A = arith.constant 0 : i32
    %dma_start3A_2 = arith.constant 0 : i32
    %dma_start3A_3 = arith.constant 0 : i32
    %dma_start3A_4 = tpu.memref_slice %arg5[%dma_start3A, %dma_start3A_2, %dma_start3A_3] : memref<32x3x128xi32, #tpu.memory_space<vmem>> -> memref<1x1x128xi32, #tpu.memory_space<vmem>>
    %dma_start3A_5 = tpu.memref_squeeze %dma_start3A_4 : memref<1x1x128xi32, #tpu.memory_space<vmem>> -> memref<128xi32, #tpu.memory_space<vmem>>
    %dma_start3A_6 = arith.constant 0 : i32
    %dma_start3A_7 = arith.constant 0 : i32
    %dma_start3A_8 = tpu.memref_slice %arg2[%dma_start3A_6, %dma_start3A_7] : memref<16384x128xf32, #tpu.memory_space<hbm>> -> memref<16384x128xf32, #tpu.memory_space<hbm>>
    tpu.enqueue_indirect_dma source(%dma_start3A_8 : memref<16384x128xf32, #tpu.memory_space<hbm>>) target(%arg6 : memref<128x128xf32, #tpu.memory_space<vmem>>) offsets(%dma_start3A_5 : memref<128xi32, #tpu.memory_space<vmem>>) semaphore(%arg13 : memref<!tpu.dma_semaphore, #tpu.memory_space<semaphore_mem>>)
    %dma_start3A_9 = arith.constant 0 : i32
    %dma_start3A_10 = arith.constant 1 : i32
    %dma_start3A_11 = arith.constant 0 : i32
    %dma_start3A_12 = tpu.memref_slice %arg5[%dma_start3A_9, %dma_start3A_10, %dma_start3A_11] : memref<32x3x128xi32, #tpu.memory_space<vmem>> -> memref<1x1x128xi32, #tpu.memory_space<vmem>>
    %dma_start3A_13 = tpu.memref_squeeze %dma_start3A_12 : memref<1x1x128xi32, #tpu.memory_space<vmem>> -> memref<128xi32, #tpu.memory_space<vmem>>
    %dma_start3A_14 = arith.constant 0 : i32
    %dma_start3A_15 = arith.constant 0 : i32
    %dma_start3A_16 = tpu.memref_slice %arg2[%dma_start3A_14, %dma_start3A_15] : memref<16384x128xf32, #tpu.memory_space<hbm>> -> memref<16384x128xf32, #tpu.memory_space<hbm>>
    tpu.enqueue_indirect_dma source(%dma_start3A_16 : memref<16384x128xf32, #tpu.memory_space<hbm>>) target(%arg7 : memref<128x128xf32, #tpu.memory_space<vmem>>) offsets(%dma_start3A_13 : memref<128xi32, #tpu.memory_space<vmem>>) semaphore(%arg13 : memref<!tpu.dma_semaphore, #tpu.memory_space<semaphore_mem>>)
    %dma_start3A_17 = arith.constant 0 : i32
    %dma_start3A_18 = arith.constant 2 : i32
    %dma_start3A_19 = arith.constant 0 : i32
    %dma_start3A_20 = tpu.memref_slice %arg5[%dma_start3A_17, %dma_start3A_18, %dma_start3A_19] : memref<32x3x128xi32, #tpu.memory_space<vmem>> -> memref<1x1x128xi32, #tpu.memory_space<vmem>>
    %dma_start3A_21 = tpu.memref_squeeze %dma_start3A_20 : memref<1x1x128xi32, #tpu.memory_space<vmem>> -> memref<128xi32, #tpu.memory_space<vmem>>
    %dma_start3A_22 = arith.constant 0 : i32
    %dma_start3A_23 = arith.constant 0 : i32
    %dma_start3A_24 = tpu.memref_slice %arg2[%dma_start3A_22, %dma_start3A_23] : memref<16384x128xf32, #tpu.memory_space<hbm>> -> memref<16384x128xf32, #tpu.memory_space<hbm>>
    tpu.enqueue_indirect_dma source(%dma_start3A_24 : memref<16384x128xf32, #tpu.memory_space<hbm>>) target(%arg8 : memref<128x128xf32, #tpu.memory_space<vmem>>) offsets(%dma_start3A_21 : memref<128xi32, #tpu.memory_space<vmem>>) semaphore(%arg13 : memref<!tpu.dma_semaphore, #tpu.memory_space<semaphore_mem>>)
    "tpu.region"() ({
      %run_scoped3A_35 = tpu.sem_alloc : memref<!tpu.dma_semaphore, #tpu.memory_space<semaphore_mem>>
      %dma_start3A_36 = arith.constant 1 : i32
      %dma_start3A_37 = arith.constant 0 : i32
      %dma_start3A_38 = arith.constant 0 : i32
      %dma_start3A_39 = tpu.memref_slice %arg5[%dma_start3A_36, %dma_start3A_37, %dma_start3A_38] : memref<32x3x128xi32, #tpu.memory_space<vmem>> -> memref<31x3x128xi32, #tpu.memory_space<vmem>>
      %dma_start3A_40 = arith.constant 1 : i32
      %dma_start3A_41 = arith.constant 0 : i32
      %dma_start3A_42 = arith.constant 0 : i32
      %dma_start3A_43 = tpu.memref_slice %arg3[%add3A, %dma_start3A_40, %dma_start3A_41, %dma_start3A_42] : memref<32x32x3x128xi32, #tpu.memory_space<hbm>> -> memref<1x31x3x128xi32, #tpu.memory_space<hbm>>
      %dma_start3A_44 = tpu.memref_squeeze %dma_start3A_43 : memref<1x31x3x128xi32, #tpu.memory_space<hbm>> -> memref<31x3x128xi32, #tpu.memory_space<hbm>>
      %dma_start3A_45 = arith.constant 1 : i32
      %dma_start3A_46 = arith.constant 0 : i32
      %dma_start3A_47 = arith.constant 0 : i32
      %dma_start3A_48 = tpu.memref_slice %arg5[%dma_start3A_45, %dma_start3A_46, %dma_start3A_47] : memref<32x3x128xi32, #tpu.memory_space<vmem>> -> memref<31x3x128xi32, #tpu.memory_space<vmem>>
      %dma_start3A_49 = arith.constant 1 : i32
      %dma_start3A_50 = arith.constant 0 : i32
      %dma_start3A_51 = arith.constant 0 : i32
      %dma_start3A_52 = tpu.memref_slice %arg3[%add3A, %dma_start3A_49, %dma_start3A_50, %dma_start3A_51] : memref<32x32x3x128xi32, #tpu.memory_space<hbm>> -> memref<1x31x3x128xi32, #tpu.memory_space<hbm>>
      %dma_start3A_53 = tpu.memref_squeeze %dma_start3A_52 : memref<1x31x3x128xi32, #tpu.memory_space<hbm>> -> memref<31x3x128xi32, #tpu.memory_space<hbm>>
      tpu.enqueue_dma source(%dma_start3A_53 : memref<31x3x128xi32, #tpu.memory_space<hbm>>) target(%dma_start3A_48 : memref<31x3x128xi32, #tpu.memory_space<vmem>>) target_semaphore(%run_scoped3A_35 : memref<!tpu.dma_semaphore, #tpu.memory_space<semaphore_mem>>)
      %dma_wait3A = arith.constant 1 : i32
      %dma_wait3A_54 = arith.constant 0 : i32
      %dma_wait3A_55 = arith.constant 0 : i32
      %dma_wait3A_56 = tpu.memref_slice %arg5[%dma_wait3A, %dma_wait3A_54, %dma_wait3A_55] : memref<32x3x128xi32, #tpu.memory_space<vmem>> -> memref<31x3x128xi32, #tpu.memory_space<vmem>>
      %dma_wait3A_57 = arith.constant 1 : i32
      %dma_wait3A_58 = arith.constant 0 : i32
      %dma_wait3A_59 = arith.constant 0 : i32
      %dma_wait3A_60 = tpu.memref_slice %arg3[%add3A, %dma_wait3A_57, %dma_wait3A_58, %dma_wait3A_59] : memref<32x32x3x128xi32, #tpu.memory_space<hbm>> -> memref<1x31x3x128xi32, #tpu.memory_space<hbm>>
      %dma_wait3A_61 = tpu.memref_squeeze %dma_wait3A_60 : memref<1x31x3x128xi32, #tpu.memory_space<hbm>> -> memref<31x3x128xi32, #tpu.memory_space<hbm>>
      %dma_wait3A_62 = arith.constant 1 : i32
      %dma_wait3A_63 = arith.constant 0 : i32
      %dma_wait3A_64 = arith.constant 0 : i32
      %dma_wait3A_65 = tpu.memref_slice %arg5[%dma_wait3A_62, %dma_wait3A_63, %dma_wait3A_64] : memref<32x3x128xi32, #tpu.memory_space<vmem>> -> memref<31x3x128xi32, #tpu.memory_space<vmem>>
      %dma_wait3A_66 = arith.constant 1 : i32
      %dma_wait3A_67 = arith.constant 0 : i32
      %dma_wait3A_68 = arith.constant 0 : i32
      %dma_wait3A_69 = tpu.memref_slice %arg3[%add3A, %dma_wait3A_66, %dma_wait3A_67, %dma_wait3A_68] : memref<32x32x3x128xi32, #tpu.memory_space<hbm>> -> memref<1x31x3x128xi32, #tpu.memory_space<hbm>>
      %dma_wait3A_70 = tpu.memref_squeeze %dma_wait3A_69 : memref<1x31x3x128xi32, #tpu.memory_space<hbm>> -> memref<31x3x128xi32, #tpu.memory_space<hbm>>
      tpu.wait_dma2 semaphore(%run_scoped3A_35 : memref<!tpu.dma_semaphore, #tpu.memory_space<semaphore_mem>>) src(%dma_wait3A_70 : memref<31x3x128xi32, #tpu.memory_space<hbm>>) dst(%dma_wait3A_65 : memref<31x3x128xi32, #tpu.memory_space<vmem>>)
      tpu.yield
    }) : () -> ()
    %scan3A = arith.constant 0.000000e+00 : f32
    %scan3A_25 = arith.constant 0 : i32
    %scan3A_26 = arith.constant 16 : i32
    %scan3A_27 = arith.addi %scan3A_25, %scan3A_26 : i32
    %scan3A_28 = arith.constant 1 : i32
    %scan3A_29 = scf.for %scan3A_35 = %scan3A_25 to %scan3A_27 step %scan3A_28 iter_args(%scan3A_36 = %scan3A) -> (f32)  : i32 {
      %mul3A_37 = arith.constant 2 : i32
      %mul3A_38 = arith.muli %mul3A_37, %scan3A_35 : i32
      %add3A_39 = arith.constant 1 : i32
      %add3A_40 = arith.addi %mul3A_38, %add3A_39 : i32
      %dma_start3A_41 = arith.constant 0 : i32
      %dma_start3A_42 = arith.constant 0 : i32
      %dma_start3A_43 = tpu.memref_slice %arg5[%add3A_40, %dma_start3A_41, %dma_start3A_42] : memref<32x3x128xi32, #tpu.memory_space<vmem>> -> memref<1x1x128xi32, #tpu.memory_space<vmem>>
      %dma_start3A_44 = tpu.memref_squeeze %dma_start3A_43 : memref<1x1x128xi32, #tpu.memory_space<vmem>> -> memref<128xi32, #tpu.memory_space<vmem>>
      %dma_start3A_45 = arith.constant 0 : i32
      %dma_start3A_46 = arith.constant 0 : i32
      %dma_start3A_47 = tpu.memref_slice %arg2[%dma_start3A_45, %dma_start3A_46] : memref<16384x128xf32, #tpu.memory_space<hbm>> -> memref<16384x128xf32, #tpu.memory_space<hbm>>
      tpu.enqueue_indirect_dma source(%dma_start3A_47 : memref<16384x128xf32, #tpu.memory_space<hbm>>) target(%arg9 : memref<128x128xf32, #tpu.memory_space<vmem>>) offsets(%dma_start3A_44 : memref<128xi32, #tpu.memory_space<vmem>>) semaphore(%arg14 : memref<!tpu.dma_semaphore, #tpu.memory_space<semaphore_mem>>)
      %dma_start3A_48 = arith.constant 1 : i32
      %dma_start3A_49 = arith.constant 0 : i32
      %dma_start3A_50 = tpu.memref_slice %arg5[%add3A_40, %dma_start3A_48, %dma_start3A_49] : memref<32x3x128xi32, #tpu.memory_space<vmem>> -> memref<1x1x128xi32, #tpu.memory_space<vmem>>
      %dma_start3A_51 = tpu.memref_squeeze %dma_start3A_50 : memref<1x1x128xi32, #tpu.memory_space<vmem>> -> memref<128xi32, #tpu.memory_space<vmem>>
      %dma_start3A_52 = arith.constant 0 : i32
      %dma_start3A_53 = arith.constant 0 : i32
      %dma_start3A_54 = tpu.memref_slice %arg2[%dma_start3A_52, %dma_start3A_53] : memref<16384x128xf32, #tpu.memory_space<hbm>> -> memref<16384x128xf32, #tpu.memory_space<hbm>>
      tpu.enqueue_indirect_dma source(%dma_start3A_54 : memref<16384x128xf32, #tpu.memory_space<hbm>>) target(%arg10 : memref<128x128xf32, #tpu.memory_space<vmem>>) offsets(%dma_start3A_51 : memref<128xi32, #tpu.memory_space<vmem>>) semaphore(%arg14 : memref<!tpu.dma_semaphore, #tpu.memory_space<semaphore_mem>>)
      %dma_start3A_55 = arith.constant 2 : i32
      %dma_start3A_56 = arith.constant 0 : i32
      %dma_start3A_57 = tpu.memref_slice %arg5[%add3A_40, %dma_start3A_55, %dma_start3A_56] : memref<32x3x128xi32, #tpu.memory_space<vmem>> -> memref<1x1x128xi32, #tpu.memory_space<vmem>>
      %dma_start3A_58 = tpu.memref_squeeze %dma_start3A_57 : memref<1x1x128xi32, #tpu.memory_space<vmem>> -> memref<128xi32, #tpu.memory_space<vmem>>
      %dma_start3A_59 = arith.constant 0 : i32
      %dma_start3A_60 = arith.constant 0 : i32
      %dma_start3A_61 = tpu.memref_slice %arg2[%dma_start3A_59, %dma_start3A_60] : memref<16384x128xf32, #tpu.memory_space<hbm>> -> memref<16384x128xf32, #tpu.memory_space<hbm>>
      tpu.enqueue_indirect_dma source(%dma_start3A_61 : memref<16384x128xf32, #tpu.memory_space<hbm>>) target(%arg11 : memref<128x128xf32, #tpu.memory_space<vmem>>) offsets(%dma_start3A_58 : memref<128xi32, #tpu.memory_space<vmem>>) semaphore(%arg14 : memref<!tpu.dma_semaphore, #tpu.memory_space<semaphore_mem>>)
      %dma_wait3A = arith.constant 0 : i32
      %dma_wait3A_62 = arith.constant 0 : i32
      %dma_wait3A_63 = tpu.memref_slice %arg5[%mul3A_38, %dma_wait3A, %dma_wait3A_62] : memref<32x3x128xi32, #tpu.memory_space<vmem>> -> memref<1x1x128xi32, #tpu.memory_space<vmem>>
      %dma_wait3A_64 = tpu.memref_squeeze %dma_wait3A_63 : memref<1x1x128xi32, #tpu.memory_space<vmem>> -> memref<128xi32, #tpu.memory_space<vmem>>
      %dma_wait3A_65 = arith.constant 0 : i32
      %dma_wait3A_66 = arith.constant 0 : i32
      %dma_wait3A_67 = tpu.memref_slice %arg2[%dma_wait3A_65, %dma_wait3A_66] : memref<16384x128xf32, #tpu.memory_space<hbm>> -> memref<16384x128xf32, #tpu.memory_space<hbm>>
      tpu.wait_indirect_dma semaphore(%arg13 : memref<!tpu.dma_semaphore, #tpu.memory_space<semaphore_mem>>) src(%dma_wait3A_67 : memref<16384x128xf32, #tpu.memory_space<hbm>>) dst(%arg6 : memref<128x128xf32, #tpu.memory_space<vmem>>)
      %dma_wait3A_68 = arith.constant 1 : i32
      %dma_wait3A_69 = arith.constant 0 : i32
      %dma_wait3A_70 = tpu.memref_slice %arg5[%mul3A_38, %dma_wait3A_68, %dma_wait3A_69] : memref<32x3x128xi32, #tpu.memory_space<vmem>> -> memref<1x1x128xi32, #tpu.memory_space<vmem>>
      %dma_wait3A_71 = tpu.memref_squeeze %dma_wait3A_70 : memref<1x1x128xi32, #tpu.memory_space<vmem>> -> memref<128xi32, #tpu.memory_space<vmem>>
      %dma_wait3A_72 = arith.constant 0 : i32
      %dma_wait3A_73 = arith.constant 0 : i32
      %dma_wait3A_74 = tpu.memref_slice %arg2[%dma_wait3A_72, %dma_wait3A_73] : memref<16384x128xf32, #tpu.memory_space<hbm>> -> memref<16384x128xf32, #tpu.memory_space<hbm>>
      tpu.wait_indirect_dma semaphore(%arg13 : memref<!tpu.dma_semaphore, #tpu.memory_space<semaphore_mem>>) src(%dma_wait3A_74 : memref<16384x128xf32, #tpu.memory_space<hbm>>) dst(%arg7 : memref<128x128xf32, #tpu.memory_space<vmem>>)
      %dma_wait3A_75 = arith.constant 2 : i32
      %dma_wait3A_76 = arith.constant 0 : i32
      %dma_wait3A_77 = tpu.memref_slice %arg5[%mul3A_38, %dma_wait3A_75, %dma_wait3A_76] : memref<32x3x128xi32, #tpu.memory_space<vmem>> -> memref<1x1x128xi32, #tpu.memory_space<vmem>>
      %dma_wait3A_78 = tpu.memref_squeeze %dma_wait3A_77 : memref<1x1x128xi32, #tpu.memory_space<vmem>> -> memref<128xi32, #tpu.memory_space<vmem>>
      %dma_wait3A_79 = arith.constant 0 : i32
      %dma_wait3A_80 = arith.constant 0 : i32
      %dma_wait3A_81 = tpu.memref_slice %arg2[%dma_wait3A_79, %dma_wait3A_80] : memref<16384x128xf32, #tpu.memory_space<hbm>> -> memref<16384x128xf32, #tpu.memory_space<hbm>>
      tpu.wait_indirect_dma semaphore(%arg13 : memref<!tpu.dma_semaphore, #tpu.memory_space<semaphore_mem>>) src(%dma_wait3A_81 : memref<16384x128xf32, #tpu.memory_space<hbm>>) dst(%arg8 : memref<128x128xf32, #tpu.memory_space<vmem>>)
      %scan3A_82 = arith.constant 0 : i32
      %scan3A_83 = arith.constant 64 : i32
      %scan3A_84 = arith.addi %scan3A_82, %scan3A_83 : i32
      %scan3A_85 = arith.constant 1 : i32
      %scan3A_86 = scf.for %scan3A_121 = %scan3A_82 to %scan3A_84 step %scan3A_85 iter_args(%scan3A_122 = %scan3A_36) -> (f32)  : i32 {
        %mul3A_123 = arith.constant 2 : i32
        %mul3A_124 = arith.muli %scan3A_121, %mul3A_123 : i32
        %add3A_125 = arith.constant 0 : i32
        %add3A_126 = arith.addi %mul3A_124, %add3A_125 : i32
        %broadcast_in_dim3A_127 = arith.constant 0.000000e+00 : f32
        %broadcast_in_dim3A_128 = vector.broadcast %broadcast_in_dim3A_127 : f32 to vector<16xf32>
        %broadcast_in_dim3A_129 = arith.constant 0.000000e+00 : f32
        %broadcast_in_dim3A_130 = vector.broadcast %broadcast_in_dim3A_129 : f32 to vector<16xf32>
        %get3A = arith.index_cast %add3A_126 : i32 to index
        %get3A_131 = arith.constant 0 : index
        %get3A_132 = tpu.vector_load %arg6[%get3A, %get3A_131] {strides = array<i32>} : memref<128x128xf32, #tpu.memory_space<vmem>>, vector<16xf32>,
        %get3A_133 = arith.index_cast %add3A_126 : i32 to index
        %get3A_134 = arith.constant 0 : index
        %get3A_135 = tpu.vector_load %arg7[%get3A_133, %get3A_134] {strides = array<i32>} : memref<128x128xf32, #tpu.memory_space<vmem>>, vector<16xf32>,
        %get3A_136 = arith.index_cast %add3A_126 : i32 to index
        %get3A_137 = arith.constant 0 : index
        %get3A_138 = tpu.vector_load %arg8[%get3A_136, %get3A_137] {strides = array<i32>} : memref<128x128xf32, #tpu.memory_space<vmem>>, vector<16xf32>,
        %sub3A = arith.subf %get3A_132, %get3A_135 : vector<16xf32>
        %sub3A_139 = arith.subf %get3A_132, %get3A_138 : vector<16xf32>
        %mul3A_140 = arith.mulf %sub3A, %sub3A : vector<16xf32>
        %mul3A_141 = arith.mulf %sub3A_139, %sub3A_139 : vector<16xf32>
        %sub3A_142 = arith.subf %mul3A_140, %mul3A_141 : vector<16xf32>
        %add3A_143 = arith.addf %broadcast_in_dim3A_128, %sub3A_142 : vector<16xf32>
        %get3A_144 = arith.index_cast %add3A_126 : i32 to index
        %get3A_145 = arith.constant 16 : index
        %get3A_146 = tpu.vector_load %arg6[%get3A_144, %get3A_145] {strides = array<i32>} : memref<128x128xf32, #tpu.memory_space<vmem>>, vector<16xf32>,
        %get3A_147 = arith.index_cast %add3A_126 : i32 to index
        %get3A_148 = arith.constant 16 : index
        %get3A_149 = tpu.vector_load %arg7[%get3A_147, %get3A_148] {strides = array<i32>} : memref<128x128xf32, #tpu.memory_space<vmem>>, vector<16xf32>,
        %get3A_150 = arith.index_cast %add3A_126 : i32 to index
        %get3A_151 = arith.constant 16 : index
        %get3A_152 = tpu.vector_load %arg8[%get3A_150, %get3A_151] {strides = array<i32>} : memref<128x128xf32, #tpu.memory_space<vmem>>, vector<16xf32>,
        %sub3A_153 = arith.subf %get3A_146, %get3A_149 : vector<16xf32>
        %sub3A_154 = arith.subf %get3A_146, %get3A_152 : vector<16xf32>
        %mul3A_155 = arith.mulf %sub3A_153, %sub3A_153 : vector<16xf32>
        %mul3A_156 = arith.mulf %sub3A_154, %sub3A_154 : vector<16xf32>
        %sub3A_157 = arith.subf %mul3A_155, %mul3A_156 : vector<16xf32>
        %add3A_158 = arith.addf %broadcast_in_dim3A_130, %sub3A_157 : vector<16xf32>
        %get3A_159 = arith.index_cast %add3A_126 : i32 to index
        %get3A_160 = arith.constant 32 : index
        %get3A_161 = tpu.vector_load %arg6[%get3A_159, %get3A_160] {strides = array<i32>} : memref<128x128xf32, #tpu.memory_space<vmem>>, vector<16xf32>,
        %get3A_162 = arith.index_cast %add3A_126 : i32 to index
        %get3A_163 = arith.constant 32 : index
        %get3A_164 = tpu.vector_load %arg7[%get3A_162, %get3A_163] {strides = array<i32>} : memref<128x128xf32, #tpu.memory_space<vmem>>, vector<16xf32>,
        %get3A_165 = arith.index_cast %add3A_126 : i32 to index
        %get3A_166 = arith.constant 32 : index
        %get3A_167 = tpu.vector_load %arg8[%get3A_165, %get3A_166] {strides = array<i32>} : memref<128x128xf32, #tpu.memory_space<vmem>>, vector<16xf32>,
        %sub3A_168 = arith.subf %get3A_161, %get3A_164 : vector<16xf32>
        %sub3A_169 = arith.subf %get3A_161, %get3A_167 : vector<16xf32>
        %mul3A_170 = arith.mulf %sub3A_168, %sub3A_168 : vector<16xf32>
        %mul3A_171 = arith.mulf %sub3A_169, %sub3A_169 : vector<16xf32>
        %sub3A_172 = arith.subf %mul3A_170, %mul3A_171 : vector<16xf32>
        %add3A_173 = arith.addf %add3A_143, %sub3A_172 : vector<16xf32>
        %get3A_174 = arith.index_cast %add3A_126 : i32 to index
        %get3A_175 = arith.constant 48 : index
        %get3A_176 = tpu.vector_load %arg6[%get3A_174, %get3A_175] {strides = array<i32>} : memref<128x128xf32, #tpu.memory_space<vmem>>, vector<16xf32>,
        %get3A_177 = arith.index_cast %add3A_126 : i32 to index
        %get3A_178 = arith.constant 48 : index
        %get3A_179 = tpu.vector_load %arg7[%get3A_177, %get3A_178] {strides = array<i32>} : memref<128x128xf32, #tpu.memory_space<vmem>>, vector<16xf32>,
        %get3A_180 = arith.index_cast %add3A_126 : i32 to index
        %get3A_181 = arith.constant 48 : index
        %get3A_182 = tpu.vector_load %arg8[%get3A_180, %get3A_181] {strides = array<i32>} : memref<128x128xf32, #tpu.memory_space<vmem>>, vector<16xf32>,
        %sub3A_183 = arith.subf %get3A_176, %get3A_179 : vector<16xf32>
        %sub3A_184 = arith.subf %get3A_176, %get3A_182 : vector<16xf32>
        %mul3A_185 = arith.mulf %sub3A_183, %sub3A_183 : vector<16xf32>
        %mul3A_186 = arith.mulf %sub3A_184, %sub3A_184 : vector<16xf32>
        %sub3A_187 = arith.subf %mul3A_185, %mul3A_186 : vector<16xf32>
        %add3A_188 = arith.addf %add3A_158, %sub3A_187 : vector<16xf32>
        %get3A_189 = arith.index_cast %add3A_126 : i32 to index
        %get3A_190 = arith.constant 64 : index
        %get3A_191 = tpu.vector_load %arg6[%get3A_189, %get3A_190] {strides = array<i32>} : memref<128x128xf32, #tpu.memory_space<vmem>>, vector<16xf32>,
        %get3A_192 = arith.index_cast %add3A_126 : i32 to index
        %get3A_193 = arith.constant 64 : index
        %get3A_194 = tpu.vector_load %arg7[%get3A_192, %get3A_193] {strides = array<i32>} : memref<128x128xf32, #tpu.memory_space<vmem>>, vector<16xf32>,
        %get3A_195 = arith.index_cast %add3A_126 : i32 to index
        %get3A_196 = arith.constant 64 : index
        %get3A_197 = tpu.vector_load %arg8[%get3A_195, %get3A_196] {strides = array<i32>} : memref<128x128xf32, #tpu.memory_space<vmem>>, vector<16xf32>,
        %sub3A_198 = arith.subf %get3A_191, %get3A_194 : vector<16xf32>
        %sub3A_199 = arith.subf %get3A_191, %get3A_197 : vector<16xf32>
        %mul3A_200 = arith.mulf %sub3A_198, %sub3A_198 : vector<16xf32>
        %mul3A_201 = arith.mulf %sub3A_199, %sub3A_199 : vector<16xf32>
        %sub3A_202 = arith.subf %mul3A_200, %mul3A_201 : vector<16xf32>
        %add3A_203 = arith.addf %add3A_173, %sub3A_202 : vector<16xf32>
        %get3A_204 = arith.index_cast %add3A_126 : i32 to index
        %get3A_205 = arith.constant 80 : index
        %get3A_206 = tpu.vector_load %arg6[%get3A_204, %get3A_205] {strides = array<i32>} : memref<128x128xf32, #tpu.memory_space<vmem>>, vector<16xf32>,
        %get3A_207 = arith.index_cast %add3A_126 : i32 to index
        %get3A_208 = arith.constant 80 : index
        %get3A_209 = tpu.vector_load %arg7[%get3A_207, %get3A_208] {strides = array<i32>} : memref<128x128xf32, #tpu.memory_space<vmem>>, vector<16xf32>,
        %get3A_210 = arith.index_cast %add3A_126 : i32 to index
        %get3A_211 = arith.constant 80 : index
        %get3A_212 = tpu.vector_load %arg8[%get3A_210, %get3A_211] {strides = array<i32>} : memref<128x128xf32, #tpu.memory_space<vmem>>, vector<16xf32>,
        %sub3A_213 = arith.subf %get3A_206, %get3A_209 : vector<16xf32>
        %sub3A_214 = arith.subf %get3A_206, %get3A_212 : vector<16xf32>
        %mul3A_215 = arith.mulf %sub3A_213, %sub3A_213 : vector<16xf32>
        %mul3A_216 = arith.mulf %sub3A_214, %sub3A_214 : vector<16xf32>
        %sub3A_217 = arith.subf %mul3A_215, %mul3A_216 : vector<16xf32>
        %add3A_218 = arith.addf %add3A_188, %sub3A_217 : vector<16xf32>
        %get3A_219 = arith.index_cast %add3A_126 : i32 to index
        %get3A_220 = arith.constant 96 : index
        %get3A_221 = tpu.vector_load %arg6[%get3A_219, %get3A_220] {strides = array<i32>} : memref<128x128xf32, #tpu.memory_space<vmem>>, vector<16xf32>,
        %get3A_222 = arith.index_cast %add3A_126 : i32 to index
        %get3A_223 = arith.constant 96 : index
        %get3A_224 = tpu.vector_load %arg7[%get3A_222, %get3A_223] {strides = array<i32>} : memref<128x128xf32, #tpu.memory_space<vmem>>, vector<16xf32>,
        %get3A_225 = arith.index_cast %add3A_126 : i32 to index
        %get3A_226 = arith.constant 96 : index
        %get3A_227 = tpu.vector_load %arg8[%get3A_225, %get3A_226] {strides = array<i32>} : memref<128x128xf32, #tpu.memory_space<vmem>>, vector<16xf32>,
        %sub3A_228 = arith.subf %get3A_221, %get3A_224 : vector<16xf32>
        %sub3A_229 = arith.subf %get3A_221, %get3A_227 : vector<16xf32>
        %mul3A_230 = arith.mulf %sub3A_228, %sub3A_228 : vector<16xf32>
        %mul3A_231 = arith.mulf %sub3A_229, %sub3A_229 : vector<16xf32>
        %sub3A_232 = arith.subf %mul3A_230, %mul3A_231 : vector<16xf32>
        %add3A_233 = arith.addf %add3A_203, %sub3A_232 : vector<16xf32>
        %get3A_234 = arith.index_cast %add3A_126 : i32 to index
        %get3A_235 = arith.constant 112 : index
        %get3A_236 = tpu.vector_load %arg6[%get3A_234, %get3A_235] {strides = array<i32>} : memref<128x128xf32, #tpu.memory_space<vmem>>, vector<16xf32>,
        %get3A_237 = arith.index_cast %add3A_126 : i32 to index
        %get3A_238 = arith.constant 112 : index
        %get3A_239 = tpu.vector_load %arg7[%get3A_237, %get3A_238] {strides = array<i32>} : memref<128x128xf32, #tpu.memory_space<vmem>>, vector<16xf32>,
        %get3A_240 = arith.index_cast %add3A_126 : i32 to index
        %get3A_241 = arith.constant 112 : index
        %get3A_242 = tpu.vector_load %arg8[%get3A_240, %get3A_241] {strides = array<i32>} : memref<128x128xf32, #tpu.memory_space<vmem>>, vector<16xf32>,
        %sub3A_243 = arith.subf %get3A_236, %get3A_239 : vector<16xf32>
        %sub3A_244 = arith.subf %get3A_236, %get3A_242 : vector<16xf32>
        %mul3A_245 = arith.mulf %sub3A_243, %sub3A_243 : vector<16xf32>
        %mul3A_246 = arith.mulf %sub3A_244, %sub3A_244 : vector<16xf32>
        %sub3A_247 = arith.subf %mul3A_245, %mul3A_246 : vector<16xf32>
        %add3A_248 = arith.addf %add3A_218, %sub3A_247 : vector<16xf32>
        %add3A_249 = arith.addf %add3A_233, %add3A_248 : vector<16xf32>
        %reduce_sum3A = arith.constant true
        %reduce_sum3A_250 = vector.broadcast %reduce_sum3A : i1 to vector<16xi1>
        %reduce_sum3A_251 = tpu.scan <sum>, %add3A_249 masked %reduce_sum3A_250 : vector<16xf32>, vector<16xi1> -> vector<16xf32>
        %reduce_sum3A_252 = vector.extract %reduce_sum3A_251[15] : f32 from vector<16xf32>
        %add3A_253 = arith.constant 2.000000e-01 : f32
        %add3A_254 = arith.addf %reduce_sum3A_252, %add3A_253 : f32
        %max3A = arith.constant 0.000000e+00 : f32
        %max3A_255 = arith.maximumf %add3A_254, %max3A : f32
        %add3A_256 = arith.addf %scan3A_122, %max3A_255 : f32
        %mul3A_257 = arith.constant 2 : i32
        %mul3A_258 = arith.muli %scan3A_121, %mul3A_257 : i32
        %add3A_259 = arith.constant 1 : i32
        %add3A_260 = arith.addi %mul3A_258, %add3A_259 : i32
        %broadcast_in_dim3A_261 = arith.constant 0.000000e+00 : f32
        %broadcast_in_dim3A_262 = vector.broadcast %broadcast_in_dim3A_261 : f32 to vector<16xf32>
        %broadcast_in_dim3A_263 = arith.constant 0.000000e+00 : f32
        %broadcast_in_dim3A_264 = vector.broadcast %broadcast_in_dim3A_263 : f32 to vector<16xf32>
        %get3A_265 = arith.index_cast %add3A_260 : i32 to index
        %get3A_266 = arith.constant 0 : index
        %get3A_267 = tpu.vector_load %arg6[%get3A_265, %get3A_266] {strides = array<i32>} : memref<128x128xf32, #tpu.memory_space<vmem>>, vector<16xf32>,
        %get3A_268 = arith.index_cast %add3A_260 : i32 to index
        %get3A_269 = arith.constant 0 : index
        %get3A_270 = tpu.vector_load %arg7[%get3A_268, %get3A_269] {strides = array<i32>} : memref<128x128xf32, #tpu.memory_space<vmem>>, vector<16xf32>,
        %get3A_271 = arith.index_cast %add3A_260 : i32 to index
        %get3A_272 = arith.constant 0 : index
        %get3A_273 = tpu.vector_load %arg8[%get3A_271, %get3A_272] {strides = array<i32>} : memref<128x128xf32, #tpu.memory_space<vmem>>, vector<16xf32>,
        %sub3A_274 = arith.subf %get3A_267, %get3A_270 : vector<16xf32>
        %sub3A_275 = arith.subf %get3A_267, %get3A_273 : vector<16xf32>
        %mul3A_276 = arith.mulf %sub3A_274, %sub3A_274 : vector<16xf32>
        %mul3A_277 = arith.mulf %sub3A_275, %sub3A_275 : vector<16xf32>
        %sub3A_278 = arith.subf %mul3A_276, %mul3A_277 : vector<16xf32>
        %add3A_279 = arith.addf %broadcast_in_dim3A_262, %sub3A_278 : vector<16xf32>
        %get3A_280 = arith.index_cast %add3A_260 : i32 to index
        %get3A_281 = arith.constant 16 : index
        %get3A_282 = tpu.vector_load %arg6[%get3A_280, %get3A_281] {strides = array<i32>} : memref<128x128xf32, #tpu.memory_space<vmem>>, vector<16xf32>,
        %get3A_283 = arith.index_cast %add3A_260 : i32 to index
        %get3A_284 = arith.constant 16 : index
        %get3A_285 = tpu.vector_load %arg7[%get3A_283, %get3A_284] {strides = array<i32>} : memref<128x128xf32, #tpu.memory_space<vmem>>, vector<16xf32>,
        %get3A_286 = arith.index_cast %add3A_260 : i32 to index
        %get3A_287 = arith.constant 16 : index
        %get3A_288 = tpu.vector_load %arg8[%get3A_286, %get3A_287] {strides = array<i32>} : memref<128x128xf32, #tpu.memory_space<vmem>>, vector<16xf32>,
        %sub3A_289 = arith.subf %get3A_282, %get3A_285 : vector<16xf32>
        %sub3A_290 = arith.subf %get3A_282, %get3A_288 : vector<16xf32>
        %mul3A_291 = arith.mulf %sub3A_289, %sub3A_289 : vector<16xf32>
        %mul3A_292 = arith.mulf %sub3A_290, %sub3A_290 : vector<16xf32>
        %sub3A_293 = arith.subf %mul3A_291, %mul3A_292 : vector<16xf32>
        %add3A_294 = arith.addf %broadcast_in_dim3A_264, %sub3A_293 : vector<16xf32>
        %get3A_295 = arith.index_cast %add3A_260 : i32 to index
        %get3A_296 = arith.constant 32 : index
        %get3A_297 = tpu.vector_load %arg6[%get3A_295, %get3A_296] {strides = array<i32>} : memref<128x128xf32, #tpu.memory_space<vmem>>, vector<16xf32>,
        %get3A_298 = arith.index_cast %add3A_260 : i32 to index
        %get3A_299 = arith.constant 32 : index
        %get3A_300 = tpu.vector_load %arg7[%get3A_298, %get3A_299] {strides = array<i32>} : memref<128x128xf32, #tpu.memory_space<vmem>>, vector<16xf32>,
        %get3A_301 = arith.index_cast %add3A_260 : i32 to index
        %get3A_302 = arith.constant 32 : index
        %get3A_303 = tpu.vector_load %arg8[%get3A_301, %get3A_302] {strides = array<i32>} : memref<128x128xf32, #tpu.memory_space<vmem>>, vector<16xf32>,
        %sub3A_304 = arith.subf %get3A_297, %get3A_300 : vector<16xf32>
        %sub3A_305 = arith.subf %get3A_297, %get3A_303 : vector<16xf32>
        %mul3A_306 = arith.mulf %sub3A_304, %sub3A_304 : vector<16xf32>
        %mul3A_307 = arith.mulf %sub3A_305, %sub3A_305 : vector<16xf32>
        %sub3A_308 = arith.subf %mul3A_306, %mul3A_307 : vector<16xf32>
        %add3A_309 = arith.addf %add3A_279, %sub3A_308 : vector<16xf32>
        %get3A_310 = arith.index_cast %add3A_260 : i32 to index
        %get3A_311 = arith.constant 48 : index
        %get3A_312 = tpu.vector_load %arg6[%get3A_310, %get3A_311] {strides = array<i32>} : memref<128x128xf32, #tpu.memory_space<vmem>>, vector<16xf32>,
        %get3A_313 = arith.index_cast %add3A_260 : i32 to index
        %get3A_314 = arith.constant 48 : index
        %get3A_315 = tpu.vector_load %arg7[%get3A_313, %get3A_314] {strides = array<i32>} : memref<128x128xf32, #tpu.memory_space<vmem>>, vector<16xf32>,
        %get3A_316 = arith.index_cast %add3A_260 : i32 to index
        %get3A_317 = arith.constant 48 : index
        %get3A_318 = tpu.vector_load %arg8[%get3A_316, %get3A_317] {strides = array<i32>} : memref<128x128xf32, #tpu.memory_space<vmem>>, vector<16xf32>,
        %sub3A_319 = arith.subf %get3A_312, %get3A_315 : vector<16xf32>
        %sub3A_320 = arith.subf %get3A_312, %get3A_318 : vector<16xf32>
        %mul3A_321 = arith.mulf %sub3A_319, %sub3A_319 : vector<16xf32>
        %mul3A_322 = arith.mulf %sub3A_320, %sub3A_320 : vector<16xf32>
        %sub3A_323 = arith.subf %mul3A_321, %mul3A_322 : vector<16xf32>
        %add3A_324 = arith.addf %add3A_294, %sub3A_323 : vector<16xf32>
        %get3A_325 = arith.index_cast %add3A_260 : i32 to index
        %get3A_326 = arith.constant 64 : index
        %get3A_327 = tpu.vector_load %arg6[%get3A_325, %get3A_326] {strides = array<i32>} : memref<128x128xf32, #tpu.memory_space<vmem>>, vector<16xf32>,
        %get3A_328 = arith.index_cast %add3A_260 : i32 to index
        %get3A_329 = arith.constant 64 : index
        %get3A_330 = tpu.vector_load %arg7[%get3A_328, %get3A_329] {strides = array<i32>} : memref<128x128xf32, #tpu.memory_space<vmem>>, vector<16xf32>,
        %get3A_331 = arith.index_cast %add3A_260 : i32 to index
        %get3A_332 = arith.constant 64 : index
        %get3A_333 = tpu.vector_load %arg8[%get3A_331, %get3A_332] {strides = array<i32>} : memref<128x128xf32, #tpu.memory_space<vmem>>, vector<16xf32>,
        %sub3A_334 = arith.subf %get3A_327, %get3A_330 : vector<16xf32>
        %sub3A_335 = arith.subf %get3A_327, %get3A_333 : vector<16xf32>
        %mul3A_336 = arith.mulf %sub3A_334, %sub3A_334 : vector<16xf32>
        %mul3A_337 = arith.mulf %sub3A_335, %sub3A_335 : vector<16xf32>
        %sub3A_338 = arith.subf %mul3A_336, %mul3A_337 : vector<16xf32>
        %add3A_339 = arith.addf %add3A_309, %sub3A_338 : vector<16xf32>
        %get3A_340 = arith.index_cast %add3A_260 : i32 to index
        %get3A_341 = arith.constant 80 : index
        %get3A_342 = tpu.vector_load %arg6[%get3A_340, %get3A_341] {strides = array<i32>} : memref<128x128xf32, #tpu.memory_space<vmem>>, vector<16xf32>,
        %get3A_343 = arith.index_cast %add3A_260 : i32 to index
        %get3A_344 = arith.constant 80 : index
        %get3A_345 = tpu.vector_load %arg7[%get3A_343, %get3A_344] {strides = array<i32>} : memref<128x128xf32, #tpu.memory_space<vmem>>, vector<16xf32>,
        %get3A_346 = arith.index_cast %add3A_260 : i32 to index
        %get3A_347 = arith.constant 80 : index
        %get3A_348 = tpu.vector_load %arg8[%get3A_346, %get3A_347] {strides = array<i32>} : memref<128x128xf32, #tpu.memory_space<vmem>>, vector<16xf32>,
        %sub3A_349 = arith.subf %get3A_342, %get3A_345 : vector<16xf32>
        %sub3A_350 = arith.subf %get3A_342, %get3A_348 : vector<16xf32>
        %mul3A_351 = arith.mulf %sub3A_349, %sub3A_349 : vector<16xf32>
        %mul3A_352 = arith.mulf %sub3A_350, %sub3A_350 : vector<16xf32>
        %sub3A_353 = arith.subf %mul3A_351, %mul3A_352 : vector<16xf32>
        %add3A_354 = arith.addf %add3A_324, %sub3A_353 : vector<16xf32>
        %get3A_355 = arith.index_cast %add3A_260 : i32 to index
        %get3A_356 = arith.constant 96 : index
        %get3A_357 = tpu.vector_load %arg6[%get3A_355, %get3A_356] {strides = array<i32>} : memref<128x128xf32, #tpu.memory_space<vmem>>, vector<16xf32>,
        %get3A_358 = arith.index_cast %add3A_260 : i32 to index
        %get3A_359 = arith.constant 96 : index
        %get3A_360 = tpu.vector_load %arg7[%get3A_358, %get3A_359] {strides = array<i32>} : memref<128x128xf32, #tpu.memory_space<vmem>>, vector<16xf32>,
        %get3A_361 = arith.index_cast %add3A_260 : i32 to index
        %get3A_362 = arith.constant 96 : index
        %get3A_363 = tpu.vector_load %arg8[%get3A_361, %get3A_362] {strides = array<i32>} : memref<128x128xf32, #tpu.memory_space<vmem>>, vector<16xf32>,
        %sub3A_364 = arith.subf %get3A_357, %get3A_360 : vector<16xf32>
        %sub3A_365 = arith.subf %get3A_357, %get3A_363 : vector<16xf32>
        %mul3A_366 = arith.mulf %sub3A_364, %sub3A_364 : vector<16xf32>
        %mul3A_367 = arith.mulf %sub3A_365, %sub3A_365 : vector<16xf32>
        %sub3A_368 = arith.subf %mul3A_366, %mul3A_367 : vector<16xf32>
        %add3A_369 = arith.addf %add3A_339, %sub3A_368 : vector<16xf32>
        %get3A_370 = arith.index_cast %add3A_260 : i32 to index
        %get3A_371 = arith.constant 112 : index
        %get3A_372 = tpu.vector_load %arg6[%get3A_370, %get3A_371] {strides = array<i32>} : memref<128x128xf32, #tpu.memory_space<vmem>>, vector<16xf32>,
        %get3A_373 = arith.index_cast %add3A_260 : i32 to index
        %get3A_374 = arith.constant 112 : index
        %get3A_375 = tpu.vector_load %arg7[%get3A_373, %get3A_374] {strides = array<i32>} : memref<128x128xf32, #tpu.memory_space<vmem>>, vector<16xf32>,
        %get3A_376 = arith.index_cast %add3A_260 : i32 to index
        %get3A_377 = arith.constant 112 : index
        %get3A_378 = tpu.vector_load %arg8[%get3A_376, %get3A_377] {strides = array<i32>} : memref<128x128xf32, #tpu.memory_space<vmem>>, vector<16xf32>,
        %sub3A_379 = arith.subf %get3A_372, %get3A_375 : vector<16xf32>
        %sub3A_380 = arith.subf %get3A_372, %get3A_378 : vector<16xf32>
        %mul3A_381 = arith.mulf %sub3A_379, %sub3A_379 : vector<16xf32>
        %mul3A_382 = arith.mulf %sub3A_380, %sub3A_380 : vector<16xf32>
        %sub3A_383 = arith.subf %mul3A_381, %mul3A_382 : vector<16xf32>
        %add3A_384 = arith.addf %add3A_354, %sub3A_383 : vector<16xf32>
        %add3A_385 = arith.addf %add3A_369, %add3A_384 : vector<16xf32>
        %reduce_sum3A_386 = arith.constant true
        %reduce_sum3A_387 = vector.broadcast %reduce_sum3A_386 : i1 to vector<16xi1>
        %reduce_sum3A_388 = tpu.scan <sum>, %add3A_385 masked %reduce_sum3A_387 : vector<16xf32>, vector<16xi1> -> vector<16xf32>
        %reduce_sum3A_389 = vector.extract %reduce_sum3A_388[15] : f32 from vector<16xf32>
        %add3A_390 = arith.constant 2.000000e-01 : f32
        %add3A_391 = arith.addf %reduce_sum3A_389, %add3A_390 : f32
        %max3A_392 = arith.constant 0.000000e+00 : f32
        %max3A_393 = arith.maximumf %add3A_391, %max3A_392 : f32
        %add3A_394 = arith.addf %add3A_256, %max3A_393 : f32
        scf.yield %add3A_394 : f32
      }
      %scan3A_87 = arith.constant 64 : i32
      %add3A_88 = arith.constant 1 : i32
      %add3A_89 = arith.addi %scan3A_35, %add3A_88 : i32
      %lt3A = arith.constant 16 : i32
      %lt3A_90 = arith.cmpi slt, %add3A_89, %lt3A : i32
      %convert_element_type3A = arith.extui %lt3A_90 : i1 to i32
      %cond3A = arith.constant 0 : i32
      %cond3A_91 = arith.cmpi ne, %convert_element_type3A, %cond3A : i32
      scf.if %cond3A_91 {
        %add3A_121 = arith.constant 2 : i32
        %add3A_122 = arith.addi %mul3A_38, %add3A_121 : i32
        %dma_start3A_123 = arith.constant 0 : i32
        %dma_start3A_124 = arith.constant 0 : i32
        %dma_start3A_125 = tpu.memref_slice %arg5[%add3A_122, %dma_start3A_123, %dma_start3A_124] : memref<32x3x128xi32, #tpu.memory_space<vmem>> -> memref<1x1x128xi32, #tpu.memory_space<vmem>>
        %dma_start3A_126 = tpu.memref_squeeze %dma_start3A_125 : memref<1x1x128xi32, #tpu.memory_space<vmem>> -> memref<128xi32, #tpu.memory_space<vmem>>
        %dma_start3A_127 = arith.constant 0 : i32
        %dma_start3A_128 = arith.constant 0 : i32
        %dma_start3A_129 = tpu.memref_slice %arg2[%dma_start3A_127, %dma_start3A_128] : memref<16384x128xf32, #tpu.memory_space<hbm>> -> memref<16384x128xf32, #tpu.memory_space<hbm>>
        tpu.enqueue_indirect_dma source(%dma_start3A_129 : memref<16384x128xf32, #tpu.memory_space<hbm>>) target(%arg6 : memref<128x128xf32, #tpu.memory_space<vmem>>) offsets(%dma_start3A_126 : memref<128xi32, #tpu.memory_space<vmem>>) semaphore(%arg13 : memref<!tpu.dma_semaphore, #tpu.memory_space<semaphore_mem>>)
        %dma_start3A_130 = arith.constant 1 : i32
        %dma_start3A_131 = arith.constant 0 : i32
        %dma_start3A_132 = tpu.memref_slice %arg5[%add3A_122, %dma_start3A_130, %dma_start3A_131] : memref<32x3x128xi32, #tpu.memory_space<vmem>> -> memref<1x1x128xi32, #tpu.memory_space<vmem>>
        %dma_start3A_133 = tpu.memref_squeeze %dma_start3A_132 : memref<1x1x128xi32, #tpu.memory_space<vmem>> -> memref<128xi32, #tpu.memory_space<vmem>>
        %dma_start3A_134 = arith.constant 0 : i32
        %dma_start3A_135 = arith.constant 0 : i32
        %dma_start3A_136 = tpu.memref_slice %arg2[%dma_start3A_134, %dma_start3A_135] : memref<16384x128xf32, #tpu.memory_space<hbm>> -> memref<16384x128xf32, #tpu.memory_space<hbm>>
        tpu.enqueue_indirect_dma source(%dma_start3A_136 : memref<16384x128xf32, #tpu.memory_space<hbm>>) target(%arg7 : memref<128x128xf32, #tpu.memory_space<vmem>>) offsets(%dma_start3A_133 : memref<128xi32, #tpu.memory_space<vmem>>) semaphore(%arg13 : memref<!tpu.dma_semaphore, #tpu.memory_space<semaphore_mem>>)
        %dma_start3A_137 = arith.constant 2 : i32
        %dma_start3A_138 = arith.constant 0 : i32
        %dma_start3A_139 = tpu.memref_slice %arg5[%add3A_122, %dma_start3A_137, %dma_start3A_138] : memref<32x3x128xi32, #tpu.memory_space<vmem>> -> memref<1x1x128xi32, #tpu.memory_space<vmem>>
        %dma_start3A_140 = tpu.memref_squeeze %dma_start3A_139 : memref<1x1x128xi32, #tpu.memory_space<vmem>> -> memref<128xi32, #tpu.memory_space<vmem>>
        %dma_start3A_141 = arith.constant 0 : i32
        %dma_start3A_142 = arith.constant 0 : i32
        %dma_start3A_143 = tpu.memref_slice %arg2[%dma_start3A_141, %dma_start3A_142] : memref<16384x128xf32, #tpu.memory_space<hbm>> -> memref<16384x128xf32, #tpu.memory_space<hbm>>
        tpu.enqueue_indirect_dma source(%dma_start3A_143 : memref<16384x128xf32, #tpu.memory_space<hbm>>) target(%arg8 : memref<128x128xf32, #tpu.memory_space<vmem>>) offsets(%dma_start3A_140 : memref<128xi32, #tpu.memory_space<vmem>>) semaphore(%arg13 : memref<!tpu.dma_semaphore, #tpu.memory_space<semaphore_mem>>)
      } else {
      }
      %add3A_92 = arith.constant 1 : i32
      %add3A_93 = arith.addi %mul3A_38, %add3A_92 : i32
      %dma_wait3A_94 = arith.constant 0 : i32
      %dma_wait3A_95 = arith.constant 0 : i32
      %dma_wait3A_96 = tpu.memref_slice %arg5[%add3A_93, %dma_wait3A_94, %dma_wait3A_95] : memref<32x3x128xi32, #tpu.memory_space<vmem>> -> memref<1x1x128xi32, #tpu.memory_space<vmem>>
      %dma_wait3A_97 = tpu.memref_squeeze %dma_wait3A_96 : memref<1x1x128xi32, #tpu.memory_space<vmem>> -> memref<128xi32, #tpu.memory_space<vmem>>
      %dma_wait3A_98 = arith.constant 0 : i32
      %dma_wait3A_99 = arith.constant 0 : i32
      %dma_wait3A_100 = tpu.memref_slice %arg2[%dma_wait3A_98, %dma_wait3A_99] : memref<16384x128xf32, #tpu.memory_space<hbm>> -> memref<16384x128xf32, #tpu.memory_space<hbm>>
      tpu.wait_indirect_dma semaphore(%arg14 : memref<!tpu.dma_semaphore, #tpu.memory_space<semaphore_mem>>) src(%dma_wait3A_100 : memref<16384x128xf32, #tpu.memory_space<hbm>>) dst(%arg9 : memref<128x128xf32, #tpu.memory_space<vmem>>)
      %dma_wait3A_101 = arith.constant 1 : i32
      %dma_wait3A_102 = arith.constant 0 : i32
      %dma_wait3A_103 = tpu.memref_slice %arg5[%add3A_93, %dma_wait3A_101, %dma_wait3A_102] : memref<32x3x128xi32, #tpu.memory_space<vmem>> -> memref<1x1x128xi32, #tpu.memory_space<vmem>>
      %dma_wait3A_104 = tpu.memref_squeeze %dma_wait3A_103 : memref<1x1x128xi32, #tpu.memory_space<vmem>> -> memref<128xi32, #tpu.memory_space<vmem>>
      %dma_wait3A_105 = arith.constant 0 : i32
      %dma_wait3A_106 = arith.constant 0 : i32
      %dma_wait3A_107 = tpu.memref_slice %arg2[%dma_wait3A_105, %dma_wait3A_106] : memref<16384x128xf32, #tpu.memory_space<hbm>> -> memref<16384x128xf32, #tpu.memory_space<hbm>>
      tpu.wait_indirect_dma semaphore(%arg14 : memref<!tpu.dma_semaphore, #tpu.memory_space<semaphore_mem>>) src(%dma_wait3A_107 : memref<16384x128xf32, #tpu.memory_space<hbm>>) dst(%arg10 : memref<128x128xf32, #tpu.memory_space<vmem>>)
      %dma_wait3A_108 = arith.constant 2 : i32
      %dma_wait3A_109 = arith.constant 0 : i32
      %dma_wait3A_110 = tpu.memref_slice %arg5[%add3A_93, %dma_wait3A_108, %dma_wait3A_109] : memref<32x3x128xi32, #tpu.memory_space<vmem>> -> memref<1x1x128xi32, #tpu.memory_space<vmem>>
      %dma_wait3A_111 = tpu.memref_squeeze %dma_wait3A_110 : memref<1x1x128xi32, #tpu.memory_space<vmem>> -> memref<128xi32, #tpu.memory_space<vmem>>
      %dma_wait3A_112 = arith.constant 0 : i32
      %dma_wait3A_113 = arith.constant 0 : i32
      %dma_wait3A_114 = tpu.memref_slice %arg2[%dma_wait3A_112, %dma_wait3A_113] : memref<16384x128xf32, #tpu.memory_space<hbm>> -> memref<16384x128xf32, #tpu.memory_space<hbm>>
      tpu.wait_indirect_dma semaphore(%arg14 : memref<!tpu.dma_semaphore, #tpu.memory_space<semaphore_mem>>) src(%dma_wait3A_114 : memref<16384x128xf32, #tpu.memory_space<hbm>>) dst(%arg11 : memref<128x128xf32, #tpu.memory_space<vmem>>)
      %scan3A_115 = arith.constant 0 : i32
      %scan3A_116 = arith.constant 64 : i32
      %scan3A_117 = arith.addi %scan3A_115, %scan3A_116 : i32
      %scan3A_118 = arith.constant 1 : i32
      %scan3A_119 = scf.for %scan3A_121 = %scan3A_115 to %scan3A_117 step %scan3A_118 iter_args(%scan3A_122 = %scan3A_86) -> (f32)  : i32 {
        %mul3A_123 = arith.constant 2 : i32
        %mul3A_124 = arith.muli %scan3A_121, %mul3A_123 : i32
        %add3A_125 = arith.constant 0 : i32
        %add3A_126 = arith.addi %mul3A_124, %add3A_125 : i32
        %broadcast_in_dim3A_127 = arith.constant 0.000000e+00 : f32
        %broadcast_in_dim3A_128 = vector.broadcast %broadcast_in_dim3A_127 : f32 to vector<16xf32>
        %broadcast_in_dim3A_129 = arith.constant 0.000000e+00 : f32
        %broadcast_in_dim3A_130 = vector.broadcast %broadcast_in_dim3A_129 : f32 to vector<16xf32>
        %get3A = arith.index_cast %add3A_126 : i32 to index
        %get3A_131 = arith.constant 0 : index
        %get3A_132 = tpu.vector_load %arg9[%get3A, %get3A_131] {strides = array<i32>} : memref<128x128xf32, #tpu.memory_space<vmem>>, vector<16xf32>,
        %get3A_133 = arith.index_cast %add3A_126 : i32 to index
        %get3A_134 = arith.constant 0 : index
        %get3A_135 = tpu.vector_load %arg10[%get3A_133, %get3A_134] {strides = array<i32>} : memref<128x128xf32, #tpu.memory_space<vmem>>, vector<16xf32>,
        %get3A_136 = arith.index_cast %add3A_126 : i32 to index
        %get3A_137 = arith.constant 0 : index
        %get3A_138 = tpu.vector_load %arg11[%get3A_136, %get3A_137] {strides = array<i32>} : memref<128x128xf32, #tpu.memory_space<vmem>>, vector<16xf32>,
        %sub3A = arith.subf %get3A_132, %get3A_135 : vector<16xf32>
        %sub3A_139 = arith.subf %get3A_132, %get3A_138 : vector<16xf32>
        %mul3A_140 = arith.mulf %sub3A, %sub3A : vector<16xf32>
        %mul3A_141 = arith.mulf %sub3A_139, %sub3A_139 : vector<16xf32>
        %sub3A_142 = arith.subf %mul3A_140, %mul3A_141 : vector<16xf32>
        %add3A_143 = arith.addf %broadcast_in_dim3A_128, %sub3A_142 : vector<16xf32>
        %get3A_144 = arith.index_cast %add3A_126 : i32 to index
        %get3A_145 = arith.constant 16 : index
        %get3A_146 = tpu.vector_load %arg9[%get3A_144, %get3A_145] {strides = array<i32>} : memref<128x128xf32, #tpu.memory_space<vmem>>, vector<16xf32>,
        %get3A_147 = arith.index_cast %add3A_126 : i32 to index
        %get3A_148 = arith.constant 16 : index
        %get3A_149 = tpu.vector_load %arg10[%get3A_147, %get3A_148] {strides = array<i32>} : memref<128x128xf32, #tpu.memory_space<vmem>>, vector<16xf32>,
        %get3A_150 = arith.index_cast %add3A_126 : i32 to index
        %get3A_151 = arith.constant 16 : index
        %get3A_152 = tpu.vector_load %arg11[%get3A_150, %get3A_151] {strides = array<i32>} : memref<128x128xf32, #tpu.memory_space<vmem>>, vector<16xf32>,
        %sub3A_153 = arith.subf %get3A_146, %get3A_149 : vector<16xf32>
        %sub3A_154 = arith.subf %get3A_146, %get3A_152 : vector<16xf32>
        %mul3A_155 = arith.mulf %sub3A_153, %sub3A_153 : vector<16xf32>
        %mul3A_156 = arith.mulf %sub3A_154, %sub3A_154 : vector<16xf32>
        %sub3A_157 = arith.subf %mul3A_155, %mul3A_156 : vector<16xf32>
        %add3A_158 = arith.addf %broadcast_in_dim3A_130, %sub3A_157 : vector<16xf32>
        %get3A_159 = arith.index_cast %add3A_126 : i32 to index
        %get3A_160 = arith.constant 32 : index
        %get3A_161 = tpu.vector_load %arg9[%get3A_159, %get3A_160] {strides = array<i32>} : memref<128x128xf32, #tpu.memory_space<vmem>>, vector<16xf32>,
        %get3A_162 = arith.index_cast %add3A_126 : i32 to index
        %get3A_163 = arith.constant 32 : index
        %get3A_164 = tpu.vector_load %arg10[%get3A_162, %get3A_163] {strides = array<i32>} : memref<128x128xf32, #tpu.memory_space<vmem>>, vector<16xf32>,
        %get3A_165 = arith.index_cast %add3A_126 : i32 to index
        %get3A_166 = arith.constant 32 : index
        %get3A_167 = tpu.vector_load %arg11[%get3A_165, %get3A_166] {strides = array<i32>} : memref<128x128xf32, #tpu.memory_space<vmem>>, vector<16xf32>,
        %sub3A_168 = arith.subf %get3A_161, %get3A_164 : vector<16xf32>
        %sub3A_169 = arith.subf %get3A_161, %get3A_167 : vector<16xf32>
        %mul3A_170 = arith.mulf %sub3A_168, %sub3A_168 : vector<16xf32>
        %mul3A_171 = arith.mulf %sub3A_169, %sub3A_169 : vector<16xf32>
        %sub3A_172 = arith.subf %mul3A_170, %mul3A_171 : vector<16xf32>
        %add3A_173 = arith.addf %add3A_143, %sub3A_172 : vector<16xf32>
        %get3A_174 = arith.index_cast %add3A_126 : i32 to index
        %get3A_175 = arith.constant 48 : index
        %get3A_176 = tpu.vector_load %arg9[%get3A_174, %get3A_175] {strides = array<i32>} : memref<128x128xf32, #tpu.memory_space<vmem>>, vector<16xf32>,
        %get3A_177 = arith.index_cast %add3A_126 : i32 to index
        %get3A_178 = arith.constant 48 : index
        %get3A_179 = tpu.vector_load %arg10[%get3A_177, %get3A_178] {strides = array<i32>} : memref<128x128xf32, #tpu.memory_space<vmem>>, vector<16xf32>,
        %get3A_180 = arith.index_cast %add3A_126 : i32 to index
        %get3A_181 = arith.constant 48 : index
        %get3A_182 = tpu.vector_load %arg11[%get3A_180, %get3A_181] {strides = array<i32>} : memref<128x128xf32, #tpu.memory_space<vmem>>, vector<16xf32>,
        %sub3A_183 = arith.subf %get3A_176, %get3A_179 : vector<16xf32>
        %sub3A_184 = arith.subf %get3A_176, %get3A_182 : vector<16xf32>
        %mul3A_185 = arith.mulf %sub3A_183, %sub3A_183 : vector<16xf32>
        %mul3A_186 = arith.mulf %sub3A_184, %sub3A_184 : vector<16xf32>
        %sub3A_187 = arith.subf %mul3A_185, %mul3A_186 : vector<16xf32>
        %add3A_188 = arith.addf %add3A_158, %sub3A_187 : vector<16xf32>
        %get3A_189 = arith.index_cast %add3A_126 : i32 to index
        %get3A_190 = arith.constant 64 : index
        %get3A_191 = tpu.vector_load %arg9[%get3A_189, %get3A_190] {strides = array<i32>} : memref<128x128xf32, #tpu.memory_space<vmem>>, vector<16xf32>,
        %get3A_192 = arith.index_cast %add3A_126 : i32 to index
        %get3A_193 = arith.constant 64 : index
        %get3A_194 = tpu.vector_load %arg10[%get3A_192, %get3A_193] {strides = array<i32>} : memref<128x128xf32, #tpu.memory_space<vmem>>, vector<16xf32>,
        %get3A_195 = arith.index_cast %add3A_126 : i32 to index
        %get3A_196 = arith.constant 64 : index
        %get3A_197 = tpu.vector_load %arg11[%get3A_195, %get3A_196] {strides = array<i32>} : memref<128x128xf32, #tpu.memory_space<vmem>>, vector<16xf32>,
        %sub3A_198 = arith.subf %get3A_191, %get3A_194 : vector<16xf32>
        %sub3A_199 = arith.subf %get3A_191, %get3A_197 : vector<16xf32>
        %mul3A_200 = arith.mulf %sub3A_198, %sub3A_198 : vector<16xf32>
        %mul3A_201 = arith.mulf %sub3A_199, %sub3A_199 : vector<16xf32>
        %sub3A_202 = arith.subf %mul3A_200, %mul3A_201 : vector<16xf32>
        %add3A_203 = arith.addf %add3A_173, %sub3A_202 : vector<16xf32>
        %get3A_204 = arith.index_cast %add3A_126 : i32 to index
        %get3A_205 = arith.constant 80 : index
        %get3A_206 = tpu.vector_load %arg9[%get3A_204, %get3A_205] {strides = array<i32>} : memref<128x128xf32, #tpu.memory_space<vmem>>, vector<16xf32>,
        %get3A_207 = arith.index_cast %add3A_126 : i32 to index
        %get3A_208 = arith.constant 80 : index
        %get3A_209 = tpu.vector_load %arg10[%get3A_207, %get3A_208] {strides = array<i32>} : memref<128x128xf32, #tpu.memory_space<vmem>>, vector<16xf32>,
        %get3A_210 = arith.index_cast %add3A_126 : i32 to index
        %get3A_211 = arith.constant 80 : index
        %get3A_212 = tpu.vector_load %arg11[%get3A_210, %get3A_211] {strides = array<i32>} : memref<128x128xf32, #tpu.memory_space<vmem>>, vector<16xf32>,
        %sub3A_213 = arith.subf %get3A_206, %get3A_209 : vector<16xf32>
        %sub3A_214 = arith.subf %get3A_206, %get3A_212 : vector<16xf32>
        %mul3A_215 = arith.mulf %sub3A_213, %sub3A_213 : vector<16xf32>
        %mul3A_216 = arith.mulf %sub3A_214, %sub3A_214 : vector<16xf32>
        %sub3A_217 = arith.subf %mul3A_215, %mul3A_216 : vector<16xf32>
        %add3A_218 = arith.addf %add3A_188, %sub3A_217 : vector<16xf32>
        %get3A_219 = arith.index_cast %add3A_126 : i32 to index
        %get3A_220 = arith.constant 96 : index
        %get3A_221 = tpu.vector_load %arg9[%get3A_219, %get3A_220] {strides = array<i32>} : memref<128x128xf32, #tpu.memory_space<vmem>>, vector<16xf32>,
        %get3A_222 = arith.index_cast %add3A_126 : i32 to index
        %get3A_223 = arith.constant 96 : index
        %get3A_224 = tpu.vector_load %arg10[%get3A_222, %get3A_223] {strides = array<i32>} : memref<128x128xf32, #tpu.memory_space<vmem>>, vector<16xf32>,
        %get3A_225 = arith.index_cast %add3A_126 : i32 to index
        %get3A_226 = arith.constant 96 : index
        %get3A_227 = tpu.vector_load %arg11[%get3A_225, %get3A_226] {strides = array<i32>} : memref<128x128xf32, #tpu.memory_space<vmem>>, vector<16xf32>,
        %sub3A_228 = arith.subf %get3A_221, %get3A_224 : vector<16xf32>
        %sub3A_229 = arith.subf %get3A_221, %get3A_227 : vector<16xf32>
        %mul3A_230 = arith.mulf %sub3A_228, %sub3A_228 : vector<16xf32>
        %mul3A_231 = arith.mulf %sub3A_229, %sub3A_229 : vector<16xf32>
        %sub3A_232 = arith.subf %mul3A_230, %mul3A_231 : vector<16xf32>
        %add3A_233 = arith.addf %add3A_203, %sub3A_232 : vector<16xf32>
        %get3A_234 = arith.index_cast %add3A_126 : i32 to index
        %get3A_235 = arith.constant 112 : index
        %get3A_236 = tpu.vector_load %arg9[%get3A_234, %get3A_235] {strides = array<i32>} : memref<128x128xf32, #tpu.memory_space<vmem>>, vector<16xf32>,
        %get3A_237 = arith.index_cast %add3A_126 : i32 to index
        %get3A_238 = arith.constant 112 : index
        %get3A_239 = tpu.vector_load %arg10[%get3A_237, %get3A_238] {strides = array<i32>} : memref<128x128xf32, #tpu.memory_space<vmem>>, vector<16xf32>,
        %get3A_240 = arith.index_cast %add3A_126 : i32 to index
        %get3A_241 = arith.constant 112 : index
        %get3A_242 = tpu.vector_load %arg11[%get3A_240, %get3A_241] {strides = array<i32>} : memref<128x128xf32, #tpu.memory_space<vmem>>, vector<16xf32>,
        %sub3A_243 = arith.subf %get3A_236, %get3A_239 : vector<16xf32>
        %sub3A_244 = arith.subf %get3A_236, %get3A_242 : vector<16xf32>
        %mul3A_245 = arith.mulf %sub3A_243, %sub3A_243 : vector<16xf32>
        %mul3A_246 = arith.mulf %sub3A_244, %sub3A_244 : vector<16xf32>
        %sub3A_247 = arith.subf %mul3A_245, %mul3A_246 : vector<16xf32>
        %add3A_248 = arith.addf %add3A_218, %sub3A_247 : vector<16xf32>
        %add3A_249 = arith.addf %add3A_233, %add3A_248 : vector<16xf32>
        %reduce_sum3A = arith.constant true
        %reduce_sum3A_250 = vector.broadcast %reduce_sum3A : i1 to vector<16xi1>
        %reduce_sum3A_251 = tpu.scan <sum>, %add3A_249 masked %reduce_sum3A_250 : vector<16xf32>, vector<16xi1> -> vector<16xf32>
        %reduce_sum3A_252 = vector.extract %reduce_sum3A_251[15] : f32 from vector<16xf32>
        %add3A_253 = arith.constant 2.000000e-01 : f32
        %add3A_254 = arith.addf %reduce_sum3A_252, %add3A_253 : f32
        %max3A = arith.constant 0.000000e+00 : f32
        %max3A_255 = arith.maximumf %add3A_254, %max3A : f32
        %add3A_256 = arith.addf %scan3A_122, %max3A_255 : f32
        %mul3A_257 = arith.constant 2 : i32
        %mul3A_258 = arith.muli %scan3A_121, %mul3A_257 : i32
        %add3A_259 = arith.constant 1 : i32
        %add3A_260 = arith.addi %mul3A_258, %add3A_259 : i32
        %broadcast_in_dim3A_261 = arith.constant 0.000000e+00 : f32
        %broadcast_in_dim3A_262 = vector.broadcast %broadcast_in_dim3A_261 : f32 to vector<16xf32>
        %broadcast_in_dim3A_263 = arith.constant 0.000000e+00 : f32
        %broadcast_in_dim3A_264 = vector.broadcast %broadcast_in_dim3A_263 : f32 to vector<16xf32>
        %get3A_265 = arith.index_cast %add3A_260 : i32 to index
        %get3A_266 = arith.constant 0 : index
        %get3A_267 = tpu.vector_load %arg9[%get3A_265, %get3A_266] {strides = array<i32>} : memref<128x128xf32, #tpu.memory_space<vmem>>, vector<16xf32>,
        %get3A_268 = arith.index_cast %add3A_260 : i32 to index
        %get3A_269 = arith.constant 0 : index
        %get3A_270 = tpu.vector_load %arg10[%get3A_268, %get3A_269] {strides = array<i32>} : memref<128x128xf32, #tpu.memory_space<vmem>>, vector<16xf32>,
        %get3A_271 = arith.index_cast %add3A_260 : i32 to index
        %get3A_272 = arith.constant 0 : index
        %get3A_273 = tpu.vector_load %arg11[%get3A_271, %get3A_272] {strides = array<i32>} : memref<128x128xf32, #tpu.memory_space<vmem>>, vector<16xf32>,
        %sub3A_274 = arith.subf %get3A_267, %get3A_270 : vector<16xf32>
        %sub3A_275 = arith.subf %get3A_267, %get3A_273 : vector<16xf32>
        %mul3A_276 = arith.mulf %sub3A_274, %sub3A_274 : vector<16xf32>
        %mul3A_277 = arith.mulf %sub3A_275, %sub3A_275 : vector<16xf32>
        %sub3A_278 = arith.subf %mul3A_276, %mul3A_277 : vector<16xf32>
        %add3A_279 = arith.addf %broadcast_in_dim3A_262, %sub3A_278 : vector<16xf32>
        %get3A_280 = arith.index_cast %add3A_260 : i32 to index
        %get3A_281 = arith.constant 16 : index
        %get3A_282 = tpu.vector_load %arg9[%get3A_280, %get3A_281] {strides = array<i32>} : memref<128x128xf32, #tpu.memory_space<vmem>>, vector<16xf32>,
        %get3A_283 = arith.index_cast %add3A_260 : i32 to index
        %get3A_284 = arith.constant 16 : index
        %get3A_285 = tpu.vector_load %arg10[%get3A_283, %get3A_284] {strides = array<i32>} : memref<128x128xf32, #tpu.memory_space<vmem>>, vector<16xf32>,
        %get3A_286 = arith.index_cast %add3A_260 : i32 to index
        %get3A_287 = arith.constant 16 : index
        %get3A_288 = tpu.vector_load %arg11[%get3A_286, %get3A_287] {strides = array<i32>} : memref<128x128xf32, #tpu.memory_space<vmem>>, vector<16xf32>,
        %sub3A_289 = arith.subf %get3A_282, %get3A_285 : vector<16xf32>
        %sub3A_290 = arith.subf %get3A_282, %get3A_288 : vector<16xf32>
        %mul3A_291 = arith.mulf %sub3A_289, %sub3A_289 : vector<16xf32>
        %mul3A_292 = arith.mulf %sub3A_290, %sub3A_290 : vector<16xf32>
        %sub3A_293 = arith.subf %mul3A_291, %mul3A_292 : vector<16xf32>
        %add3A_294 = arith.addf %broadcast_in_dim3A_264, %sub3A_293 : vector<16xf32>
        %get3A_295 = arith.index_cast %add3A_260 : i32 to index
        %get3A_296 = arith.constant 32 : index
        %get3A_297 = tpu.vector_load %arg9[%get3A_295, %get3A_296] {strides = array<i32>} : memref<128x128xf32, #tpu.memory_space<vmem>>, vector<16xf32>,
        %get3A_298 = arith.index_cast %add3A_260 : i32 to index
        %get3A_299 = arith.constant 32 : index
        %get3A_300 = tpu.vector_load %arg10[%get3A_298, %get3A_299] {strides = array<i32>} : memref<128x128xf32, #tpu.memory_space<vmem>>, vector<16xf32>,
        %get3A_301 = arith.index_cast %add3A_260 : i32 to index
        %get3A_302 = arith.constant 32 : index
        %get3A_303 = tpu.vector_load %arg11[%get3A_301, %get3A_302] {strides = array<i32>} : memref<128x128xf32, #tpu.memory_space<vmem>>, vector<16xf32>,
        %sub3A_304 = arith.subf %get3A_297, %get3A_300 : vector<16xf32>
        %sub3A_305 = arith.subf %get3A_297, %get3A_303 : vector<16xf32>
        %mul3A_306 = arith.mulf %sub3A_304, %sub3A_304 : vector<16xf32>
        %mul3A_307 = arith.mulf %sub3A_305, %sub3A_305 : vector<16xf32>
        %sub3A_308 = arith.subf %mul3A_306, %mul3A_307 : vector<16xf32>
        %add3A_309 = arith.addf %add3A_279, %sub3A_308 : vector<16xf32>
        %get3A_310 = arith.index_cast %add3A_260 : i32 to index
        %get3A_311 = arith.constant 48 : index
        %get3A_312 = tpu.vector_load %arg9[%get3A_310, %get3A_311] {strides = array<i32>} : memref<128x128xf32, #tpu.memory_space<vmem>>, vector<16xf32>,
        %get3A_313 = arith.index_cast %add3A_260 : i32 to index
        %get3A_314 = arith.constant 48 : index
        %get3A_315 = tpu.vector_load %arg10[%get3A_313, %get3A_314] {strides = array<i32>} : memref<128x128xf32, #tpu.memory_space<vmem>>, vector<16xf32>,
        %get3A_316 = arith.index_cast %add3A_260 : i32 to index
        %get3A_317 = arith.constant 48 : index
        %get3A_318 = tpu.vector_load %arg11[%get3A_316, %get3A_317] {strides = array<i32>} : memref<128x128xf32, #tpu.memory_space<vmem>>, vector<16xf32>,
        %sub3A_319 = arith.subf %get3A_312, %get3A_315 : vector<16xf32>
        %sub3A_320 = arith.subf %get3A_312, %get3A_318 : vector<16xf32>
        %mul3A_321 = arith.mulf %sub3A_319, %sub3A_319 : vector<16xf32>
        %mul3A_322 = arith.mulf %sub3A_320, %sub3A_320 : vector<16xf32>
        %sub3A_323 = arith.subf %mul3A_321, %mul3A_322 : vector<16xf32>
        %add3A_324 = arith.addf %add3A_294, %sub3A_323 : vector<16xf32>
        %get3A_325 = arith.index_cast %add3A_260 : i32 to index
        %get3A_326 = arith.constant 64 : index
        %get3A_327 = tpu.vector_load %arg9[%get3A_325, %get3A_326] {strides = array<i32>} : memref<128x128xf32, #tpu.memory_space<vmem>>, vector<16xf32>,
        %get3A_328 = arith.index_cast %add3A_260 : i32 to index
        %get3A_329 = arith.constant 64 : index
        %get3A_330 = tpu.vector_load %arg10[%get3A_328, %get3A_329] {strides = array<i32>} : memref<128x128xf32, #tpu.memory_space<vmem>>, vector<16xf32>,
        %get3A_331 = arith.index_cast %add3A_260 : i32 to index
        %get3A_332 = arith.constant 64 : index
        %get3A_333 = tpu.vector_load %arg11[%get3A_331, %get3A_332] {strides = array<i32>} : memref<128x128xf32, #tpu.memory_space<vmem>>, vector<16xf32>,
        %sub3A_334 = arith.subf %get3A_327, %get3A_330 : vector<16xf32>
        %sub3A_335 = arith.subf %get3A_327, %get3A_333 : vector<16xf32>
        %mul3A_336 = arith.mulf %sub3A_334, %sub3A_334 : vector<16xf32>
        %mul3A_337 = arith.mulf %sub3A_335, %sub3A_335 : vector<16xf32>
        %sub3A_338 = arith.subf %mul3A_336, %mul3A_337 : vector<16xf32>
        %add3A_339 = arith.addf %add3A_309, %sub3A_338 : vector<16xf32>
        %get3A_340 = arith.index_cast %add3A_260 : i32 to index
        %get3A_341 = arith.constant 80 : index
        %get3A_342 = tpu.vector_load %arg9[%get3A_340, %get3A_341] {strides = array<i32>} : memref<128x128xf32, #tpu.memory_space<vmem>>, vector<16xf32>,
        %get3A_343 = arith.index_cast %add3A_260 : i32 to index
        %get3A_344 = arith.constant 80 : index
        %get3A_345 = tpu.vector_load %arg10[%get3A_343, %get3A_344] {strides = array<i32>} : memref<128x128xf32, #tpu.memory_space<vmem>>, vector<16xf32>,
        %get3A_346 = arith.index_cast %add3A_260 : i32 to index
        %get3A_347 = arith.constant 80 : index
        %get3A_348 = tpu.vector_load %arg11[%get3A_346, %get3A_347] {strides = array<i32>} : memref<128x128xf32, #tpu.memory_space<vmem>>, vector<16xf32>,
        %sub3A_349 = arith.subf %get3A_342, %get3A_345 : vector<16xf32>
        %sub3A_350 = arith.subf %get3A_342, %get3A_348 : vector<16xf32>
        %mul3A_351 = arith.mulf %sub3A_349, %sub3A_349 : vector<16xf32>
        %mul3A_352 = arith.mulf %sub3A_350, %sub3A_350 : vector<16xf32>
        %sub3A_353 = arith.subf %mul3A_351, %mul3A_352 : vector<16xf32>
        %add3A_354 = arith.addf %add3A_324, %sub3A_353 : vector<16xf32>
        %get3A_355 = arith.index_cast %add3A_260 : i32 to index
        %get3A_356 = arith.constant 96 : index
        %get3A_357 = tpu.vector_load %arg9[%get3A_355, %get3A_356] {strides = array<i32>} : memref<128x128xf32, #tpu.memory_space<vmem>>, vector<16xf32>,
        %get3A_358 = arith.index_cast %add3A_260 : i32 to index
        %get3A_359 = arith.constant 96 : index
        %get3A_360 = tpu.vector_load %arg10[%get3A_358, %get3A_359] {strides = array<i32>} : memref<128x128xf32, #tpu.memory_space<vmem>>, vector<16xf32>,
        %get3A_361 = arith.index_cast %add3A_260 : i32 to index
        %get3A_362 = arith.constant 96 : index
        %get3A_363 = tpu.vector_load %arg11[%get3A_361, %get3A_362] {strides = array<i32>} : memref<128x128xf32, #tpu.memory_space<vmem>>, vector<16xf32>,
        %sub3A_364 = arith.subf %get3A_357, %get3A_360 : vector<16xf32>
        %sub3A_365 = arith.subf %get3A_357, %get3A_363 : vector<16xf32>
        %mul3A_366 = arith.mulf %sub3A_364, %sub3A_364 : vector<16xf32>
        %mul3A_367 = arith.mulf %sub3A_365, %sub3A_365 : vector<16xf32>
        %sub3A_368 = arith.subf %mul3A_366, %mul3A_367 : vector<16xf32>
        %add3A_369 = arith.addf %add3A_339, %sub3A_368 : vector<16xf32>
        %get3A_370 = arith.index_cast %add3A_260 : i32 to index
        %get3A_371 = arith.constant 112 : index
        %get3A_372 = tpu.vector_load %arg9[%get3A_370, %get3A_371] {strides = array<i32>} : memref<128x128xf32, #tpu.memory_space<vmem>>, vector<16xf32>,
        %get3A_373 = arith.index_cast %add3A_260 : i32 to index
        %get3A_374 = arith.constant 112 : index
        %get3A_375 = tpu.vector_load %arg10[%get3A_373, %get3A_374] {strides = array<i32>} : memref<128x128xf32, #tpu.memory_space<vmem>>, vector<16xf32>,
        %get3A_376 = arith.index_cast %add3A_260 : i32 to index
        %get3A_377 = arith.constant 112 : index
        %get3A_378 = tpu.vector_load %arg11[%get3A_376, %get3A_377] {strides = array<i32>} : memref<128x128xf32, #tpu.memory_space<vmem>>, vector<16xf32>,
        %sub3A_379 = arith.subf %get3A_372, %get3A_375 : vector<16xf32>
        %sub3A_380 = arith.subf %get3A_372, %get3A_378 : vector<16xf32>
        %mul3A_381 = arith.mulf %sub3A_379, %sub3A_379 : vector<16xf32>
        %mul3A_382 = arith.mulf %sub3A_380, %sub3A_380 : vector<16xf32>
        %sub3A_383 = arith.subf %mul3A_381, %mul3A_382 : vector<16xf32>
        %add3A_384 = arith.addf %add3A_354, %sub3A_383 : vector<16xf32>
        %add3A_385 = arith.addf %add3A_369, %add3A_384 : vector<16xf32>
        %reduce_sum3A_386 = arith.constant true
        %reduce_sum3A_387 = vector.broadcast %reduce_sum3A_386 : i1 to vector<16xi1>
        %reduce_sum3A_388 = tpu.scan <sum>, %add3A_385 masked %reduce_sum3A_387 : vector<16xf32>, vector<16xi1> -> vector<16xf32>
        %reduce_sum3A_389 = vector.extract %reduce_sum3A_388[15] : f32 from vector<16xf32>
        %add3A_390 = arith.constant 2.000000e-01 : f32
        %add3A_391 = arith.addf %reduce_sum3A_389, %add3A_390 : f32
        %max3A_392 = arith.constant 0.000000e+00 : f32
        %max3A_393 = arith.maximumf %add3A_391, %max3A_392 : f32
        %add3A_394 = arith.addf %add3A_256, %max3A_393 : f32
        scf.yield %add3A_394 : f32
      }
      %scan3A_120 = arith.constant 64 : i32
      scf.yield %scan3A_119 : f32
    }
    %scan3A_30 = arith.constant 16 : i32
    %iota3A = tpu.iota {dimensions = array<i32: 0>} : vector<16xi32>
    %eq3A = arith.constant 0 : i32
    %eq3A_31 = vector.broadcast %eq3A : i32 to vector<16xi32>
    %eq3A_32 = arith.cmpi eq, %iota3A, %eq3A_31 : vector<16xi32>
    %jit3A = arith.constant 0.000000e+00 : f32
    %broadcast_in_dim3A = vector.broadcast %scan3A_29 : f32 to vector<16xf32>
    %broadcast_in_dim3A_33 = vector.broadcast %jit3A : f32 to vector<16xf32>
    %select_n3A = arith.select %eq3A_32, %broadcast_in_dim3A, %broadcast_in_dim3A_33 : vector<16xi1>, vector<16xf32>
    %swap3A = arith.constant 0 : index
    %swap3A_34 = tpu.vector_load %arg12[%swap3A] {strides = array<i32>} : memref<16xf32, #tpu.memory_space<vmem>>, vector<16xf32>,
    tpu.vector_store %arg12[%swap3A], %select_n3A {strides = array<i32>} : memref<16xf32, #tpu.memory_space<vmem>>, vector<16xf32>,
    "tpu.region"() ({
      %run_scoped3A_35 = tpu.sem_alloc : memref<!tpu.dma_semaphore, #tpu.memory_space<semaphore_mem>>
      %dma_start3A_36 = arith.constant 0 : i32
      %dma_start3A_37 = tpu.memref_slice %arg4[%add3A, %dma_start3A_36] : memref<32x16xf32, #tpu.memory_space<hbm>> -> memref<1x16xf32, #tpu.memory_space<hbm>>
      %dma_start3A_38 = tpu.memref_squeeze %dma_start3A_37 : memref<1x16xf32, #tpu.memory_space<hbm>> -> memref<16xf32, #tpu.memory_space<hbm>>
      %dma_start3A_39 = arith.constant 0 : i32
      %dma_start3A_40 = tpu.memref_slice %arg4[%add3A, %dma_start3A_39] : memref<32x16xf32, #tpu.memory_space<hbm>> -> memref<1x16xf32, #tpu.memory_space<hbm>>
      %dma_start3A_41 = tpu.memref_squeeze %dma_start3A_40 : memref<1x16xf32, #tpu.memory_space<hbm>> -> memref<16xf32, #tpu.memory_space<hbm>>
      tpu.enqueue_dma source(%arg12 : memref<16xf32, #tpu.memory_space<vmem>>) target(%dma_start3A_41 : memref<16xf32, #tpu.memory_space<hbm>>) target_semaphore(%run_scoped3A_35 : memref<!tpu.dma_semaphore, #tpu.memory_space<semaphore_mem>>)
      %dma_wait3A = arith.constant 0 : i32
      %dma_wait3A_42 = tpu.memref_slice %arg4[%add3A, %dma_wait3A] : memref<32x16xf32, #tpu.memory_space<hbm>> -> memref<1x16xf32, #tpu.memory_space<hbm>>
      %dma_wait3A_43 = tpu.memref_squeeze %dma_wait3A_42 : memref<1x16xf32, #tpu.memory_space<hbm>> -> memref<16xf32, #tpu.memory_space<hbm>>
      %dma_wait3A_44 = arith.constant 0 : i32
      %dma_wait3A_45 = tpu.memref_slice %arg4[%add3A, %dma_wait3A_44] : memref<32x16xf32, #tpu.memory_space<hbm>> -> memref<1x16xf32, #tpu.memory_space<hbm>>
      %dma_wait3A_46 = tpu.memref_squeeze %dma_wait3A_45 : memref<1x16xf32, #tpu.memory_space<hbm>> -> memref<16xf32, #tpu.memory_space<hbm>>
      tpu.wait_dma2 semaphore(%run_scoped3A_35 : memref<!tpu.dma_semaphore, #tpu.memory_space<semaphore_mem>>) src(%arg12 : memref<16xf32, #tpu.memory_space<vmem>>) dst(%dma_wait3A_46 : memref<16xf32, #tpu.memory_space<hbm>>)
      tpu.yield
    }) : () -> ()
    return
  }
}

</mosaic_0001>

<sc_bundles>
// kernel: kernel.3.cloned.1.call-start
scs
__scs_entry_jumppad:
0x0: {  	(pc) =	sbr.rel $0x88, $3  }
0x1: {  	(tag) =	ssettag $0x0;
	lr =	simm.s32 $0x1  }
0x2: {  	[smem:$0x3F9F] =	sst lr;
	_ =	strace $0xD0000000  }
0x3: {  	_ = 	snop  }
0x4: {  	_ = 	snop  }
0x5: {  	_ = 	snop  }
0x6: {  	_ = 	snop  }
0x7: {  	_ = 	snop  }
__scs_overlays_trampoline_lowered:
0x8: {  	[smem:$0x3FAE] =	sst s0  }
0x9: {  	[smem:$0x3FAF] =	sst s1  }
0xa: {  	[smem:$0x3FB0] =	sst s2  }
0xb: {  	[smem:$0x3FB1] =	sst s3  }
0xc: {  	[smem:$0x3FB2] =	sst s4  }
0xd: {  	[smem:$0x3FB3] =	sst s5  }
0xe: {  	[smem:$0x3FB4] =	sst s6  }
0xf: {  	[smem:$0x3FB5] =	sst s7  }
0x10: {  	[smem:$0x3FB6] =	sst s8  }
0x11: {  	[smem:$0x3FB7] =	sst s9;
	s0 =	simm.s32 @!p0 $0x0  }
0x12: {  	s1 =	sld [smem:$0x3F9D];
	s0 =	simm.s32 @p0 $0x1  }
0x13: {  	[smem:$0x3FB8] =	sst s0;
	s0 =	simm.s32 @!p1 $0x0  }
0x14: {  	s2 =	sld [smem:$0x3F9C];
	s0 =	simm.s32 @p1 $0x1  }
0x15: {  	[smem:$0x3FB9] =	sst s0;
	s0 =	simm.s32 @!p2 $0x0  }
0x16: {  	s3 =	sld [smem:$0x3FDB];
	s0 =	simm.s32 @p2 $0x1  }
0x17: {  	s4 =	simm.s32 $0x1BF5;
	[smem:$0x3FBB] =	sst s0  }
0x18: {  	s0 =	sld [smem:$0x3F9E];
	_ =	swait.ge [sflag:s4], $0x0  }
0x19: {  	s7 =	sld [smem:$0x3F9F]  }
0x1a: {  	s8 =	sadd.s32 $0xFFFFE003, lr  }
0x1b: {  	s9 =	sadd.s32 $0xFFFFFEF7, lr;
	s5 =	simm.s32 $0xFFFFFFFF;
	p2 =	slt.u32 s8, $0xFFFFF086  }
0x1c: {  	p1 =	slt.u32 s9, $0xF7A;
	s5 =	simm.s32 @!p2 $0x0  }
0x1d: {  	s5 =	simm.s32 @p1 $0x1;
	p0 =	seq.s32 s7, s2  }
0x1e: {  	s7 =	smul.u32 @!p0 $0xF7A, s2;
	p2 =	seq.s32 @!p0 s5, $0x0  }
0x1f: {  	s9 =	smul.u32 $0xF7A, s1;
	s8 =	simm.s32 @!p0 $0x1BF5;
	p2 =	por !p2, p0  }
0x20: {  	[sflag:s8] =	ssyncset.s32 @!p0 $0xFFFFF086;
	s6 =	sadd.s32 @!p0 s3, s7;
	s7 =	simm.s32 @!p0 $0x108  }
0x21: {  	s3 =	sadd.s32 s3, s9;
	s6 =	sadd.s32 @!p0 $0x88, s6;
	s7 =	simm.s32 @p2 $0x1082  }
0x22: {  	[simem:s7], [sflag:s8] =	dma.local @!p0 [hbm:s6], $0xF7A  }
0x23: {  	s9 =	sor.u32 $0xD0000000, s2;
	s6 =	simm.s32 $0x108;
	_ =	swait.ge @!p0 [sflag:s8], $0x0  }
0x24: {  	s3 =	sadd.s32 $0x88, s3;
	s6 =	simm.s32 @!p1 $0x1082;
	[sflag:s4] =	ssyncset.s32 $0xFFFFF086  }
0x25: {  	[simem:s6], [sflag:s4] =	dma.local [hbm:s3], $0xF7A  }
0x26: {  	[smem:$0x3F9F] =	sst s1;
	(tag) =	ssettag s2;
	_ =	strace s9  }
0x27: {  	s1 =	sld [smem:$0x3FAF]  }
0x28: {  	s2 =	sld [smem:$0x3FB0]  }
0x29: {  	s4 =	sld [smem:$0x3FB2]  }
0x2a: {  	p0 =	seq.s32 s5, $0x0;
	s5 =	sld [smem:$0x3FB3]  }
0x2b: {  	s6 =	sld [smem:$0x3FB4]  }
0x2c: {  	s7 =	sld [smem:$0x3FB5]  }
0x2d: {  	s3 =	simm.s32 $0x108;
	s8 =	sld [smem:$0x3FB6]  }
0x2e: {  	s3 =	simm.s32 @!p0 $0x1082;
	s9 =	sld [smem:$0x3FB7]  }
0x2f: {  	lr =	sadd.s32 s0, s3;
	s0 =	sld [smem:$0x3FAE]  }
0x30: {  	s3 =	sld [smem:$0x3FB1]  }
0x31: {  	[smem:$0x3FBA] =	sst s10  }
0x32: {  	s10 =	sld [smem:$0x3FB8];
	_ =	sdelay $0x3  }
0x33: {  	p0 =	seq.s32 s10, $0x1;
	s10 =	sld [smem:$0x3FBA];
	_ =	sdelay $0x3  }
0x34: {  	[smem:$0x3FBA] =	sst s10  }
0x35: {  	s10 =	sld [smem:$0x3FB9];
	_ =	sdelay $0x3  }
0x36: {  	p1 =	seq.s32 s10, $0x1;
	s10 =	sld [smem:$0x3FBA];
	_ =	sdelay $0x3  }
0x37: {  	[smem:$0x3FBA] =	sst s10  }
0x38: {  	s10 =	sld [smem:$0x3FBB]  }
0x39: {  	_ = 	snop;
	(pc) =	sbr.ind lr, $3  }
0x3a: {  	_ = 	snop  }
0x3b: {  	_ = 	snop  }
0x3c: {  	p2 =	seq.s32 s10, $0x1;
	s10 =	sld [smem:$0x3FBA]  }
0x3d: {  	_ =	shalt  }
0x3e: {  	_ =	shalt  }
0x3f: {  	_ =	shalt  }
0x40: {  	_ =	shalt  }
0x41: {  	_ =	shalt  }
0x42: {  	_ =	shalt  }
0x43: {  	_ =	shalt  }
0x44: {  	_ =	shalt  }
0x45: {  	_ =	shalt  }
0x46: {  	_ =	shalt  }
0x47: {  	_ =	shalt  }
0x48: {  	_ =	shalt  }
0x49: {  	_ =	shalt  }
0x4a: {  	_ =	shalt  }
0x4b: {  	_ =	shalt  }
0x4c: {  	_ =	shalt  }
0x4d: {  	_ =	shalt  }
0x4e: {  	_ =	shalt  }
0x4f: {  	_ =	shalt  }
0x50: {  	_ =	shalt  }
0x51: {  	_ =	shalt  }
0x52: {  	_ =	shalt  }
0x53: {  	_ =	shalt  }
0x54: {  	_ =	shalt  }
0x55: {  	_ =	shalt  }
0x56: {  	_ =	shalt  }
0x57: {  	_ =	shalt  }
0x58: {  	_ =	shalt  }
0x59: {  	_ =	shalt  }
0x5a: {  	_ =	shalt  }
0x5b: {  	_ =	shalt  }
0x5c: {  	_ =	shalt  }
0x5d: {  	_ =	shalt  }
0x5e: {  	_ =	shalt  }
0x5f: {  	_ =	shalt  }
0x60: {  	_ =	shalt  }
0x61: {  	_ =	shalt  }
0x62: {  	_ =	shalt  }
0x63: {  	_ =	shalt  }
0x64: {  	_ =	shalt  }
0x65: {  	_ =	shalt  }
0x66: {  	_ =	shalt  }
0x67: {  	_ =	shalt  }
0x68: {  	_ =	shalt  }
0x69: {  	_ =	shalt  }
0x6a: {  	_ =	shalt  }
0x6b: {  	_ =	shalt  }
0x6c: {  	_ =	shalt  }
0x6d: {  	_ =	shalt  }
0x6e: {  	_ =	shalt  }
0x6f: {  	_ =	shalt  }
0x70: {  	_ =	shalt  }
0x71: {  	_ =	shalt  }
0x72: {  	_ =	shalt  }
0x73: {  	_ =	shalt  }
0x74: {  	_ =	shalt  }
0x75: {  	_ =	shalt  }
0x76: {  	_ =	shalt  }
0x77: {  	_ =	shalt  }
0x78: {  	_ =	shalt  }
0x79: {  	_ =	shalt  }
0x7a: {  	_ =	shalt  }
0x7b: {  	_ =	shalt  }
0x7c: {  	_ =	shalt  }
0x7d: {  	_ =	shalt  }
0x7e: {  	_ =	shalt  }
0x7f: {  	_ =	shalt  }
0x80: {  	_ =	shalt  }
0x81: {  	_ =	shalt  }
0x82: {  	_ =	shalt  }
0x83: {  	_ =	shalt  }
0x84: {  	_ =	shalt  }
0x85: {  	_ =	shalt  }
0x86: {  	_ =	shalt  }
0x87: {  	_ =	shalt  }
.Lfunc_end0:
.L_simem_size_0:
called_computation_lowered:
.L_overlay_start_0:
0x88: {  	s2 =	sld [smem:$0x3FD9]  }
0x89: {  	s3 =	sld [smem:$0x3FFE];
	_ =	sdelay $0x1  }
0x8a: {  	s1 =	srdreg.scid  }
0x8b: {  	s0 =	sand.u32 $0x1, s1  }
0x8c: {  	s17 =	sshll.u32 s0, $0xA;
	s2 =	sadd.s32 s3, s2  }
0x8d: {  	s2 =	sadd.s32 s2, s17  }
0x8e: {  	[smem:$0x3FC6] =	sst s2  }
0x8f: {  	_ = 	snop  }
0x90: {  	s2 =	sld [smem:$0x3FC9]  }
0x91: {  	s18 =	sld [smem:$0x3FC8];
	(tm) =	ssettm $0x1  }
0x92: {  	s4 =	sld [smem:$0x3FFB];
	_ =	sdelay $0x3  }
0x93: {  	_ =	strace s4  }
0x94: {  	s4 =	sld [smem:$0x3FFC];
	_ =	sdelay $0x3  }
0x95: {  	_ =	strace s4  }
0x96: {  	s4 =	sld [smem:$0x3FFD];
	_ =	sdelay $0x3  }
0x97: {  	_ =	strace s4  }
0x98: {  	_ =	strace $0x8FFFFFFF  }
0x99: {  	s19 =	sld [smem:$0x3FDB];
	_ =	sdelay $0x1  }
0x9a: {  	s5 =	simm.s32 $_scs_section_size  }
0x9b: {  	s6 =	simm.s32 $_size__tile_overlayer_lowered;
	s7 =	simm.s32 $_tile_overlayer_lowered  }
0x9c: {  	s22 =	simm.s32 $0x1BFF;
	s21 =	sshll.u32 s7, $0x1;
	s4 =	sadd.s32 s5, s19  }
0x9d: {  	s8 =	simm.s32 $0x0;
	s20 =	sshll.u32 s6, $0x1;
	s6 =	sadd.s32 s21, s4  }
0x9e: {  	[timem:s8], [sflag:s22] =	dma.local [hbm:s6], s20  }
0x9f: {  	_ =	swait.ge [sflag:s22], s20  }
0xa0: {  	s5 =	ssub.s32 $0x0, s20;
	[sflag:s22] =	ssyncset.done $0x0  }
0xa1: {  	[sflag:s22] =	ssyncadd.s32 s5;
	_ =	sdelay $0x1  }
0xa2: {  	s23 =	simm.s32 $0x1B8B  }
0xa3: {  	_ =	swait.ge [sflag:s23], $0x1  }
0xa4: {  	[sflag:s23] =	ssyncset.done $0x0  }
0xa5: {  	s25 =	simm.s32 $0x1B8E;
	s24 =	sld [smem:$0x3FFE];
	[sflag:s23] =	ssyncadd.s32 $0xFFFFFFFF  }
0xa6: {  	s26 =	simm.s32 $execute0_lowered;
	[smem:$0x3FD2] =	sst s25  }
0xa7: {  	s6 =	sshll.u32 s26, $0x1;
	_ =	strace $0x80000046;
	[dreg:$0x1] =	wrdreg $0xFFFFFFFF  }
0xa8: {  	s28 =	simm.s32 $_size_execute0_lowered;
	s4 =	sadd.s32 s4, s6;
	[dreg:$0x0] =	wrdreg $0x0  }
0xa9: {  	s6 =	sshll.u32 s28, $0x1;
	[dreg:$0x2] =	wrdreg s4  }
0xaa: {  	[dreg:$0x3] =	wrdreg s6  }
0xab: {  	[dreg:$0x4] =	wrdreg $0xC0  }
0xac: {  	_ =	task [dreg:s8], $0x5FFFF  }
0xad: {  	[dreg:$0x1] =	wrdreg $0xFFFFFFFF  }
0xae: {  	[dreg:$0x0] =	wrdreg $0x60  }
0xaf: {  	[dreg:$0x2] =	wrdreg s2  }
0xb0: {  	[dreg:$0x3] =	wrdreg s18  }
0xb1: {  	[dreg:$0x4] =	wrdreg s24  }
0xb2: {  	[dreg:$0x5] =	wrdreg $0x9  }
0xb3: {  	_ =	task.clear_ibuf [dreg:s8], $0x6FFFF;
	_ =	strace $0x90000046  }
0xb4: {  	s29 =	simm.s32 $0x9;
	_ =	strace $0x80000048  }
0xb5: {  	_ =	swait.ge [sflag:s29], $0x1  }
0xb6: {  	[sflag:s29] =	ssyncadd.s32 $0xFFFFFFFF  }
0xb7: {  	_ =	strace $0x90000048  }
0xb8: {  	_ =	sfence  }
0xb9: {  	s30 =	sld [smem:$0x0];
	_ =	sdelay $0x2  }
0xba: {  	s31 =	sshll.u32 s1, $0xD;
	s1 =	sshrl.u32 s1, $0x2  }
0xbb: {  	s3 =	sand.u32 $0x4000, s31;
	s1 =	sadd.s32 s1, s30  }
0xbc: {  	s0 =	sor.u32 s3, s0;
	s1 =	sshll.u32 s1, $0x11  }
0xbd: {  	s0 =	sor.u32 s1, s0  }
0xbe: {  	s0 =	sadd.s32 $0x8F2B, s0  }
0xbf: {  	[sflag:s0] =	ssyncadd.remote.s32 $0x1  }
0xc0: {  	_ =	sfence.sel $0xFFFF  }
0xc1: {  	[dreg:$0x0] =	wrdreg $0xFFFFFFFF;
	(pc) =	sbr.abs _section_cstart, $3  }
0xc2: {  	[dreg:$0x1] =	wrdreg $0xFFFFFFFF  }
0xc3: {  	_ =	task.clear_ibuf [dreg:s8], $0x2FFFF;
	_ =	strace $0x9FFFFFFF  }
0xc4: {  	(tm) =	ssettm $0x7FFFFFFF  }
0xc5: {  	_ =	shalt  }
tec
execute0_lowered:
.L_overlay_start_1:
0x0: {  	(tag) =	ssettag $0x1  }
0x1: {  	s1 =	rddreg [dreg:$0x0]  }
0x2: {  	s4 =	rddreg [dreg:$0x1]  }
0x3: {  	s2 =	srdreg.scid;
	s0 =	stileid.u32  }
0x4: {  	s6 =	rddreg [dreg:$0x2];
	s3 =	simm.s32 $0x0;
	s10 =	simm.s32 $0x4000  }
0x5: {  	s11 =	simm.s32 $0x8000;
	s12 =	simm.s32 $0x100;
	s13 =	simm.s32 $0xC000  }
0x6: {  	s14 =	simm.s32 $0x10000;
	s15 =	simm.s32 $0x14000;
	s16 =	simm.s32 $0x18000  }
0x7: {  	s17 =	simm.s32 $0x1;
	s18 =	simm.s32 $0x2;
	s19 =	simm.s32 $0x1C000  }
0x8: {  	s5 =	sand.u32 $0x1, s2;
	s7 =	sshll.u32 s0, $0x1;
	s2 =	rddreg [dreg:$0x3]  }
0x9: {  	s20 =	simm.s32 $0x0;
	[smem:$0x7FF] =	sst s3;
	s7 =	sor.u32 s5, s7  }
0xa: {  	s5 =	ssub.s32 $0x2, s5;
	_ =	strace $0x80000047;
	s8 =	sshll.u32 s7, $0xB  }
0xb: {  	s9 =	sshrl.u32 s5, $0x1;
	s7 =	sshll.u32 s7, $0x4;
	s4 =	sadd.s32 s4, s8  }
0xc: {  	s31 =	ssub.s32 s5, s9;
	s6 =	sadd.s32 s6, s7;
	s8 =	simm.s32 $0x3  }
0xd: {  	vm0 =	vcmask $0x300;
	s9 =	simm.s32 $0x80;
	s5 =	sadd.s32 $0x40, s4;
	s7 =	smax.u32 s31, $0x1  }
.LBB2_1:
0xe: {  	[tilespmem:s3], [sflag:$0x3] =	stream.linear.gather [hbm4b:s4+s3], $0x180, $0x38;
	[tilespmem:$0x1C080] =	vst v63  }
0xf: {  	_ =	swait.ge [sflag:s8], $0x180  }
0x10: {  	[sflag:s8] =	ssyncset.done $0x0  }
0x11: {  	[sflag:s8] =	ssyncadd.s32 $0xFFFFFE80  }
0x12: {  	[tilespmem:s10], [sflag:$0x1] =	stream.indirect.gather [hbm4b:s1+s9], $0x80, s3, s9, $0xb8;
	[tilespmem:$0x1C080] =	vst v63  }
0x13: {  	s21 =	simm.s32 $0x200  }
0x14: {  	[tilespmem:s11], [sflag:$0x1] =	stream.indirect.gather [hbm4b:s1+s9], $0x80, s9, s9, $0xb8;
	[tilespmem:$0x1C080] =	vst v63  }
0x15: {  	s22 =	simm.s32 $0x40;
	s24 =	sadd.s32 $0x0, s5;
	s23 =	simm.s32 $0x400  }
0x16: {  	[tilespmem:s13], [sflag:$0x1] =	stream.indirect.gather [hbm4b:s1+s9], $0x80, s12, s9, $0xb8;
	[tilespmem:$0x1C080] =	vst v63  }
.LBB2_2:
0x17: {  	[tilespmem:s21], [sflag:$0x3] =	stream.linear.gather [hbm4b:s24+s3], $0x180, $0x38;
	[tilespmem:$0x1C080] =	vst v63  }
0x18: {  	s24 =	smov.u32 s22;
	s21 =	smov.u32 s23;
	p0 =	sne.s32 s22, $0x780  }
.Ltmp0:
0x19: {  	s22 =	sadd.s32 $0x40, s22;
	(pc) =	sbr.rel @p0 .LBB2_2-.Ltmp0, $2  }
0x1a: {  	_ =	sdelay $0x2  }
0x1b: {  	s23 =	sadd.s32 $0x200, s23;
	s24 =	sadd.s32 s24, s5  }
0x1c: {  	[tilespmem:s21], [sflag:$0x3] =	stream.linear.gather [hbm4b:s24+s3], $0x180, $0x38;
	[tilespmem:$0x1C080] =	vst v63  }
0x1d: {  	_ =	swait.ge [sflag:s8], $0x2E80  }
0x1e: {  	[sflag:s8] =	ssyncset.done $0x0  }
0x1f: {  	s21 =	simm.s32 $0x0;
	s22 =	simm.f32 $0.0e+00;
	[sflag:s8] =	ssyncadd.s32 $0xFFFFD180  }
.LBB2_5:
0x20: {  	s23 =	sshll.u32 s21, $0xA  }
0x21: {  	s23 =	sand.u32 $0x3FFFFC00, s23  }
0x22: {  	s24 =	sor.u32 $0x200, s23  }
0x23: {  	[tilespmem:s14], [sflag:$0x2] =	stream.indirect.gather [hbm4b:s1+s9], $0x80, s24, s9, $0xb8;
	[tilespmem:$0x1C080] =	vst v63  }
0x24: {  	s29 =	sor.u32 $0x280, s23  }
0x25: {  	[tilespmem:s15], [sflag:$0x2] =	stream.indirect.gather [hbm4b:s1+s9], $0x80, s29, s9, $0xb8;
	[tilespmem:$0x1C080] =	vst v63  }
0x26: {  	s30 =	sor.u32 $0x300, s23  }
0x27: {  	[tilespmem:s16], [sflag:$0x2] =	stream.indirect.gather [hbm4b:s1+s9], $0x80, s30, s9, $0xb8;
	[tilespmem:$0x1C080] =	vst v63  }
0x28: {  	_ =	swait.ge [sflag:s17], $0x4000  }
0x29: {  	[sflag:s17] =	ssyncset.done $0x0  }
0x2a: {  	[sflag:s17] =	ssyncadd.s32 $0xFFFFC000  }
0x2b: {  	_ =	swait.ge [sflag:s17], $0x4000  }
0x2c: {  	[sflag:s17] =	ssyncset.done $0x0  }
0x2d: {  	[sflag:s17] =	ssyncadd.s32 $0xFFFFC000  }
0x2e: {  	_ =	swait.ge [sflag:s17], $0x4000  }
0x2f: {  	[sflag:s17] =	ssyncset.done $0x0  }
0x30: {  	s25 =	simm.s32 $0x0;
	[sflag:s17] =	ssyncadd.s32 $0xFFFFC000  }
0x31: {  	v1 =	vld [tilespmem:s25+$0x40E0]  }
0x32: {  	v0 =	vld [tilespmem:s25+$0x80F0]  }
0x33: {  	v2 =	vld [tilespmem:s25+$0x40F0]  }
0x34: {  	v3 =	vld [tilespmem:s25+$0x80C0]  }
0x35: {  	v4 =	vld [tilespmem:s25+$0x40C0]  }
0x36: {  	v5 =	vld [tilespmem:s25+$0x80A0]  }
0x37: {  	v6 =	vld [tilespmem:s25+$0xC070]  }
0x38: {  	v7 =	vld [tilespmem:s25+$0x40A0]  }
0x39: {  	v8 =	vld [tilespmem:s25+$0xC020]  }
0x3a: {  	v9 =	vld [tilespmem:s25+$0xC090]  }
0x3b: {  	v10 =	vld [tilespmem:s25+$0x8090]  }
0x3c: {  	v11 =	vld [tilespmem:s25+$0x4090]  }
0x3d: {  	v12 =	vld [tilespmem:s25+$0xC080]  }
0x3e: {  	v13 =	vld [tilespmem:s25+$0x8080]  }
0x3f: {  	v14 =	vld [tilespmem:s25+$0x4080]  }
0x40: {  	v15 =	vld [tilespmem:s25+$0x8070]  }
0x41: {  	v16 =	vld [tilespmem:s25+$0xC030]  }
0x42: {  	v17 =	vld [tilespmem:s25+$0x4050]  }
0x43: {  	v18 =	vld [tilespmem:s25+$0x8030]  }
0x44: {  	v19 =	vld [tilespmem:s25+$0xC0E0]  }
0x45: {  	v20 =	vld [tilespmem:s25+$0x4000]  }
0x46: {  	v21 =	vld [tilespmem:s25+$0x4030]  }
0x47: {  	v22 =	vld [tilespmem:s25+$0xC0F0]  }
0x48: {  	v23 =	vld [tilespmem:s25+$0x8010]  }
0x49: {  	v24 =	vld [tilespmem:s25+$0x40D0]  }
0x4a: {  	v25 =	vld [tilespmem:s25+$0xC0C0]  }
0x4b: {  	v26 =	vld [tilespmem:s25+$0xC0B0]  }
0x4c: {  	v28 =	vld [tilespmem:s25+$0xC0A0]  }
0x4d: {  	v27 =	vld [tilespmem:s25+$0x4010]  }
0x4e: {  	v29 =	vld [tilespmem:s25+$0x80E0];
	v18 =	vsub.f32 v21, v18;
	v16 =	vsub.f32 v21, v16  }
0x4f: {  	v55 =	vld [tilespmem:s25+$0xC010];
	v13 =	vsub.f32 v14, v13;
	v12 =	vsub.f32 v14, v12  }
0x50: {  	v56 =	vld [tilespmem:s25+$0x8060];
	v10 =	vsub.f32 v11, v10;
	v9 =	vsub.f32 v11, v9  }
0x51: {  	s24 =	simm.s32 $0x100;
	v30 =	vld [tilespmem:s25+$0x80D0];
	v5 =	vsub.f32 v7, v5;
	v7 =	vsub.f32 v7, v28  }
0x52: {  	v57 =	vld [tilespmem:s24+$0x40F0];
	v25 =	vsub.f32 v4, v25;
	v0 =	vsub.f32 v2, v0  }
0x53: {  	v21 =	vld [tilespmem:s25+$0x80B0];
	v2 =	vsub.f32 v2, v22;
	v23 =	vsub.f32 v27, v23  }
0x54: {  	v14 =	vld [tilespmem:s25+$0x40B0];
	v3 =	vsub.f32 v4, v3;
	v18 =	vmul.f32 v18, v18;
	v16 =	vmul.f32 v16, v16  }
0x55: {  	v11 =	vld [tilespmem:s25+$0x8000];
	v27 =	vsub.f32 v27, v55;
	v12 =	vmul.f32 v12, v12;
	v10 =	vmul.f32 v10, v10  }
0x56: {  	v22 =	vld [tilespmem:s25+$0x4040];
	v29 =	vsub.f32 v1, v29;
	v13 =	vmul.f32 v13, v13;
	v9 =	vmul.f32 v9, v9  }
0x57: {  	v4 =	vld [tilespmem:s25+$0xC040];
	v19 =	vsub.f32 v1, v19;
	v5 =	vmul.f32 v5, v5;
	v7 =	vmul.f32 v7, v7  }
0x58: {  	v0 =	vmul.f32 v0, v0;
	v2 =	vmul.f32 v2, v2;
	v16 =	vsub.f32 v18, v16;
	v18 =	vld [tilespmem:s25+$0xC000]  }
0x59: {  	v25 =	vmul.f32 v25, v25;
	v3 =	vmul.f32 v3, v3;
	v12 =	vsub.f32 v13, v12;
	v13 =	vld [tilespmem:s25+$0x4020]  }
0x5a: {  	v9 =	vsub.f32 v10, v9;
	v10 =	vld [tilespmem:s25+$0x8020];
	v5 =	vsub.f32 v5, v7  }
0x5b: {  	v7 =	vld [tilespmem:s25+$0x8040];
	v2 =	vsub.f32 v0, v2;
	v3 =	vsub.f32 v3, v25  }
0x5c: {  	v58 =	vld [tilespmem:s24+$0x80E0];
	v0 =	vmul.f32 v23, v23;
	v21 =	vsub.f32 v14, v21;
	v4 =	vsub.f32 v22, v4  }
0x5d: {  	v23 =	vmul.f32 v27, v27;
	v11 =	vsub.f32 v20, v11;
	v14 =	vsub.f32 v14, v26;
	v26 =	vld [tilespmem:s25+$0x4070]  }
0x5e: {  	v25 =	vld [tilespmem:s25+$0x8050];
	v27 =	vsub.f32 v24, v30;
	v5 =	vadd.f32 v5, v12;
	v4 =	vmul.f32 v4, v4  }
0x5f: {  	v12 =	vld [tilespmem:s25+$0xC0D0];
	v11 =	vmul.f32 v11, v11;
	v8 =	vsub.f32 v13, v8;
	v10 =	vsub.f32 v13, v10  }
0x60: {  	v21 =	vmul.f32 v21, v21;
	v18 =	vsub.f32 v20, v18;
	v20 =	vld [tilespmem:s25+$0x4060];
	v7 =	vsub.f32 v22, v7  }
0x61: {  	v22 =	vsub.f32 v0, v23;
	v23 =	vld [tilespmem:s25+$0xC050];
	v8 =	vmul.f32 v8, v8;
	v10 =	vmul.f32 v10, v10  }
0x62: {  	v5 =	vadd.f32 v3, v5;
	v13 =	vld [tilespmem:s25+$0xC060];
	v6 =	vsub.f32 v26, v6;
	v7 =	vmul.f32 v7, v7  }
0x63: {  	v59 =	vld [tilespmem:s24+$0xC000];
	v18 =	vmul.f32 v18, v18;
	v16 =	vadd.f32 v16, v22;
	v8 =	vsub.f32 v10, v8  }
0x64: {  	v61 =	vld [tilespmem:s24+$0xC040];
	v3 =	vmul.f32 v27, v27;
	v4 =	vsub.f32 v7, v4;
	v7 =	vsub.f32 v24, v12  }
0x65: {  	v62 =	vld [tilespmem:s24+$0x8060];
	v6 =	vmul.f32 v6, v6;
	v24 =	vsub.f32 v17, v25;
	v11 =	vsub.f32 v11, v18  }
0x66: {  	v0 =	vld [tilespmem:s24+$0x40E0];
	v10 =	vmul.f32 v14, v14;
	v14 =	vsub.f32 v20, v56;
	v17 =	vsub.f32 v17, v23  }
0x67: {  	v22 =	vld [tilespmem:s24+$0x8090];
	v13 =	vsub.f32 v20, v13;
	v24 =	vmul.f32 v24, v24;
	v8 =	vadd.f32 v8, v11  }
0x68: {  	v12 =	vld [tilespmem:s24+$0x80C0];
	v1 =	vmul.f32 v14, v14;
	v14 =	vsub.f32 v26, v15;
	v17 =	vmul.f32 v17, v17  }
0x69: {  	v18 =	vld [tilespmem:s24+$0x40A0];
	v10 =	vsub.f32 v21, v10;
	v7 =	vmul.f32 v7, v7;
	v13 =	vmul.f32 v13, v13  }
0x6a: {  	v25 =	vld [tilespmem:s24+$0xC0B0];
	v4 =	vadd.f32 v4, v8;
	v14 =	vmul.f32 v14, v14;
	v11 =	vsub.f32 v24, v17  }
0x6b: {  	v20 =	vld [tilespmem:s24+$0x80F0];
	v3 =	vsub.f32 v3, v7;
	v13 =	vsub.f32 v1, v13  }
0x6c: {  	v23 =	vld [tilespmem:s24+$0x80A0];
	v6 =	vsub.f32 v14, v6;
	v8 =	vadd.f32 v11, v16  }
0x6d: {  	v21 =	vld [tilespmem:s24+$0xC020];
	v7 =	vadd.f32 v10, v9;
	v14 =	vmul.f32 v29, v29;
	v11 =	vmul.f32 v19, v19  }
0x6e: {  	v15 =	vld [tilespmem:s24+$0x40C0];
	v4 =	vadd.f32 v13, v4;
	v6 =	vadd.f32 v6, v8  }
0x6f: {  	v26 =	vld [tilespmem:s24+$0x4010];
	v7 =	vadd.f32 v3, v7;
	v8 =	vsub.f32 v14, v11  }
0x70: {  	v9 =	vld [tilespmem:s24+$0xC080];
	v4 =	vadd.f32 v6, v4  }
0x71: {  	v10 =	vld [tilespmem:s24+$0x8080];
	v5 =	vadd.f32 v8, v5;
	v6 =	vadd.f32 v2, v7  }
0x72: {  	v1 =	vld [tilespmem:s24+$0xC070];
	(xrf2) =	vadd.scan.msk.f32 $0xffff, v4  }
0x73: {  	v17 =	vld [tilespmem:s24+$0xC090];
	v5 =	vadd.f32 v6, v5  }
0x74: {  	v24 =	vld [tilespmem:s24+$0x4090]  }
0x75: {  	v3 =	vld [tilespmem:s24+$0x8070];
	(xrf2) =	vadd.scan.msk.f32 $0xffff, v5  }
0x76: {  	v13 =	vld [tilespmem:s24+$0x4030]  }
0x77: {  	v11 =	vld [tilespmem:s24+$0x4080]  }
0x78: {  	v16 =	vld [tilespmem:s24+$0xC0F0]  }
0x79: {  	v19 =	vld [tilespmem:s24+$0xC0C0]  }
0x7a: {  	v7 =	vld [tilespmem:s24+$0xC030]  }
0x7b: {  	v6 =	vld [tilespmem:s24+$0x8030]  }
0x7c: {  	v60 =	vsub.f32 v0, v58;
	v14 =	vld [tilespmem:s24+$0x8010];
	v10 =	vsub.f32 v11, v10;
	v27, _, _ =	vpop (xrf2)  }
0x7d: {  	v9 =	vsub.f32 v11, v9;
	v11 =	vld [tilespmem:s24+$0xC0A0];
	(v2sf) =	vpush v27, $0xF  }
0x7e: {  	v22 =	vsub.f32 v24, v22;
	v17 =	vsub.f32 v24, v17;
	v24 =	vld [tilespmem:s24+$0x40B0]  }
0x7f: {  	v23 =	vsub.f32 v18, v23;
	v2 =	vld [tilespmem:s24+$0x4050];
	v7 =	vsub.f32 v13, v7;
	v27, _, _ =	vpop (xrf2)  }
0x80: {  	v8 =	vld [tilespmem:s24+$0x4000];
	v6 =	vsub.f32 v13, v6;
	(v2sf) =	vpush v27, $0xF  }
0x81: {  	v20 =	vsub.f32 v57, v20;
	v22 =	vmul.f32 v22, v22;
	v17 =	vmul.f32 v17, v17;
	v13 =	vld [tilespmem:s24+$0x80B0]  }
0x82: {  	v7 =	vmul.f32 v7, v7;
	v11 =	vsub.f32 v18, v11;
	v18 =	vld [tilespmem:s24+$0xC010];
	v6 =	vmul.f32 v6, v6  }
0x83: {  	v23 =	vmul.f32 v23, v23;
	v19 =	vsub.f32 v15, v19;
	v15 =	vsub.f32 v15, v12;
	v27 =	vld [tilespmem:s24+$0x8000]  }
0x84: {  	v20 =	vmul.f32 v20, v20;
	v7 =	vsub.f32 v6, v7;
	v6 =	vsub.f32 v22, v17;
	v17 =	vld [tilespmem:s24+$0x4020]  }
0x85: {  	v31 =	vsub.f32 v26, v14;
	v25 =	vsub.f32 v24, v25;
	v11 =	vmul.f32 v11, v11;
	v22 =	vld [tilespmem:s24+$0x8020]  }
0x86: {  	v12 =	vld [tilespmem:s24+$0x4060];
	v9 =	vmul.f32 v9, v9;
	v10 =	vmul.f32 v10, v10;
	v14 =	vsub.f32 v24, v13  }
0x87: {  	v19 =	vmul.f32 v19, v19;
	v13 =	vsub.f32 v57, v16;
	v16 =	vsub.f32 v23, v11;
	v23 =	vld [tilespmem:s24+$0x8040]  }
0x88: {  	v15 =	vmul.f32 v15, v15;
	v10 =	vsub.f32 v10, v9;
	v9 =	vsub.f32 v8, v27;
	v27 =	vld [tilespmem:s24+$0x4040]  }
0x89: {  	v4 =	vld [tilespmem:s24+$0xC0E0];
	v11 =	vsub.f32 v8, v59;
	v18 =	vsub.f32 v26, v18;
	v13 =	vmul.f32 v13, v13  }
0x8a: {  	v5 =	vld [tilespmem:s24+$0x40D0];
	v26 =	vmul.f32 v31, v31;
	v21 =	vsub.f32 v17, v21;
	v17 =	vsub.f32 v17, v22  }
0x8b: {  	v16 =	vadd.f32 v16, v10;
	v18 =	vmul.f32 v18, v18;
	v8 =	vsub.f32 v20, v13;
	v13 =	vld [tilespmem:s24+$0xC060]  }
0x8c: {  	v22 =	vmul.f32 v21, v21;
	v63 =	vmul.f32 v17, v17;
	v17 =	vsub.f32 v15, v19;
	v15 =	vld [tilespmem:s24+$0x80D0];
	s31 =	spop (v2sf)  }
0x8d: {  	v21 =	vld [tilespmem:s24+$0xC0D0];
	v24 =	vsub.f32 v27, v23;
	v23 =	vsub.f32 v27, v61;
	s25 =	sadd.f32 $2.000000030e-01, s31  }
0x8e: {  	v10 =	vmul.f32 v60, v60;
	v20 =	vsub.f32 v26, v18;
	v18 =	vsub.f32 v63, v22;
	v22 =	vld [tilespmem:s24+$0x4070]  }
0x8f: {  	s28 =	simm.s32 $0x800;
	v19 =	vmul.f32 v25, v25;
	v26 =	vsub.f32 v12, v62;
	v25 =	vmul.f32 v23, v23;
	v23 =	vld [tilespmem:s24+$0x8050];
	s26 =	spop (v2sf);
	s25 =	smax.f32 s25, $0.0e+00  }
.LBB2_6:
0x90: {  	p0 =	sne.s32 s28, $0xFC00;
	v24 =	vmul.f32 v24, v24;
	v27 =	vld [tilespmem:s24+$0xC050];
	s24 =	sshra.s32 s28, $0x2;
	s28 =	sadd.s32 $0x400, s28;
	v13 =	vsub.f32 v12, v13;
	v4 =	vsub.f32 v0, v4  }
0x91: {  	v28 =	vmul.f32 v11, v11;
	v0 =	vld [tilespmem:s24+$0x40E0];
	v26 =	vmul.f32 v26, v26;
	v29 =	vsub.f32 v5, v15  }
0x92: {  	v12 =	vld [tilespmem:s24+$0x80F0];
	v24 =	vsub.f32 v24, v25;
	v15 =	vmul.f32 v13, v13;
	v5 =	vsub.f32 v5, v21  }
0x93: {  	v14 =	vmul.f32 v14, v14;
	s26 =	sadd.f32 $2.000000030e-01, s26;
	v13 =	vld [tilespmem:s24+$0x40F0];
	v3 =	vsub.f32 v22, v3;
	v21 =	vsub.f32 v22, v1  }
0x94: {  	s22 =	sadd.f32 s25, s22;
	v11 =	vld [tilespmem:s24+$0x80C0];
	v1 =	vsub.f32 v2, v23;
	v22 =	vsub.f32 v26, v15;
	v5 =	vmul.f32 v5, v5  }
0x95: {  	v9 =	vmul.f32 v9, v9;
	s25 =	smax.f32 s26, $0.0e+00;
	v15 =	vld [tilespmem:s24+$0x40C0];
	v2 =	vsub.f32 v2, v27;
	v3 =	vmul.f32 v3, v3  }
0x96: {  	v7 =	vadd.f32 v7, v20;
	s22 =	sadd.f32 s25, s22;
	v23 =	vld [tilespmem:s24+$0x80A0];
	v20 =	vmul.f32 v1, v1  }
0x97: {  	v9 =	vsub.f32 v9, v28;
	v14 =	vsub.f32 v14, v19;
	v1 =	vld [tilespmem:s24+$0xC070];
	v2 =	vmul.f32 v2, v2  }
0x98: {  	v16 =	vadd.f32 v17, v16;
	v4 =	vmul.f32 v4, v4;
	v17 =	vmul.f32 v29, v29;
	v19 =	vld [tilespmem:s24+$0x40A0]  }
0x99: {  	v9 =	vadd.f32 v18, v9;
	v18 =	vmul.f32 v21, v21;
	v25 =	vld [tilespmem:s24+$0xC020];
	v2 =	vsub.f32 v20, v2  }
0x9a: {  	v4 =	vsub.f32 v10, v4;
	v5 =	vsub.f32 v17, v5;
	v20 =	vld [tilespmem:s24+$0xC090]  }
0x9b: {  	v6 =	vadd.f32 v14, v6;
	v3 =	vsub.f32 v3, v18;
	v10 =	vld [tilespmem:s24+$0x8090]  }
0x9c: {  	v9 =	vadd.f32 v24, v9;
	v2 =	vadd.f32 v2, v7;
	v14 =	vld [tilespmem:s24+$0x4090]  }
0x9d: {  	v4 =	vadd.f32 v4, v16;
	v5 =	vadd.f32 v5, v6;
	v7 =	vld [tilespmem:s24+$0xC080]  }
0x9e: {  	v9 =	vadd.f32 v22, v9;
	v2 =	vadd.f32 v3, v2;
	v6 =	vld [tilespmem:s24+$0x8080]  }
0x9f: {  	v5 =	vadd.f32 v8, v5;
	v16 =	vld [tilespmem:s24+$0x4080]  }
0xa0: {  	v8 =	vadd.f32 v2, v9;
	v3 =	vld [tilespmem:s24+$0x8070]  }
0xa1: {  	v5 =	vadd.f32 v5, v4;
	v9 =	vld [tilespmem:s24+$0xC030]  }
0xa2: {  	v2 =	vld [tilespmem:s24+$0x4050];
	(xrf2) =	vadd.scan.msk.f32 $0xffff, v8  }
0xa3: {  	v8 =	vld [tilespmem:s24+$0x8030]  }
0xa4: {  	v4 =	vld [tilespmem:s24+$0xC0E0]  }
0xa5: {  	v17 =	vld [tilespmem:s24+$0x4000];
	(xrf2) =	vadd.scan.msk.f32 $0xffff, v5  }
0xa6: {  	v18 =	vld [tilespmem:s24+$0x4030]  }
0xa7: {  	v21 =	vld [tilespmem:s24+$0xC0F0]  }
0xa8: {  	v22 =	vld [tilespmem:s24+$0x8010]  }
0xa9: {  	v6 =	vsub.f32 v16, v6;
	v5 =	vld [tilespmem:s24+$0x40D0]  }
0xaa: {  	v7 =	vsub.f32 v16, v7;
	v16 =	vld [tilespmem:s24+$0xC0C0]  }
0xab: {  	v8 =	vsub.f32 v18, v8;
	v9 =	vsub.f32 v18, v9;
	v18 =	vld [tilespmem:s24+$0xC0B0]  }
0xac: {  	v29 =	vsub.f32 v14, v10;
	v26 =	vmul.f32 v7, v7;
	v24 =	vld [tilespmem:s24+$0x4010];
	v10, _, _ =	vpop (xrf2)  }
0xad: {  	v14 =	vsub.f32 v14, v20;
	v8 =	vmul.f32 v8, v8;
	v20 =	vld [tilespmem:s24+$0xC0A0];
	(v2sf) =	vpush v10, $0xF  }
0xae: {  	v9 =	vmul.f32 v9, v9;
	v10 =	vmul.f32 v29, v29;
	v27 =	vld [tilespmem:s24+$0x80B0]  }
0xaf: {  	v23 =	vsub.f32 v19, v23;
	v14 =	vmul.f32 v14, v14;
	v28 =	vld [tilespmem:s24+$0x40B0];
	v7, _, _ =	vpop (xrf2)  }
0xb0: {  	v6 =	vmul.f32 v6, v6;
	v16 =	vsub.f32 v15, v16;
	v29 =	vld [tilespmem:s24+$0x80E0];
	(v2sf) =	vpush v7, $0xF  }
0xb1: {  	v7 =	vsub.f32 v8, v9;
	v8 =	vmul.f32 v23, v23;
	v30 =	vld [tilespmem:s24+$0x8000];
	v22 =	vsub.f32 v24, v22  }
0xb2: {  	v26 =	vsub.f32 v6, v26;
	v23 =	vld [tilespmem:s24+$0xC000];
	v9 =	vsub.f32 v19, v20  }
0xb3: {  	v6 =	vsub.f32 v10, v14;
	v19 =	vld [tilespmem:s24+$0xC010]  }
0xb4: {  	v12 =	vsub.f32 v13, v12;
	v31 =	vmul.f32 v16, v16;
	v20 =	vld [tilespmem:s24+$0x4020];
	v10 =	vmul.f32 v9, v9  }
0xb5: {  	v13 =	vsub.f32 v13, v21;
	v14 =	vsub.f32 v28, v27;
	v16 =	vld [tilespmem:s24+$0x8020]  }
0xb6: {  	v9 =	vsub.f32 v17, v30;
	v21 =	vld [tilespmem:s24+$0x4040];
	v27 =	vsub.f32 v8, v10;
	v8 =	vmul.f32 v12, v12  }
0xb7: {  	v13 =	vmul.f32 v13, v13;
	v15 =	vsub.f32 v15, v11;
	v10 =	vsub.f32 v0, v29;
	v30 =	vld [tilespmem:s24+$0x8040]  }
0xb8: {  	v11 =	vsub.f32 v17, v23;
	v17 =	vsub.f32 v24, v19;
	v19 =	vld [tilespmem:s24+$0xC040]  }
0xb9: {  	v22 =	vmul.f32 v22, v22;
	v10 =	vmul.f32 v10, v10;
	v23 =	vsub.f32 v20, v25;
	v12 =	vld [tilespmem:s24+$0x4060]  }
0xba: {  	v15 =	vmul.f32 v15, v15;
	v8 =	vsub.f32 v8, v13;
	v20 =	vsub.f32 v20, v16;
	v29 =	vld [tilespmem:s24+$0x8060]  }
.Ltmp1:
0xbb: {  	v25 =	vmul.f32 v17, v17;
	v16 =	vadd.f32 v27, v26;
	v23 =	vmul.f32 v23, v23;
	v13 =	vld [tilespmem:s24+$0xC060];
	(pc) =	sbr.rel @p0 .LBB2_6-.Ltmp1, $4  }
0xbc: {  	v27 =	vsub.f32 v28, v18;
	v17 =	vsub.f32 v15, v31;
	v26 =	vmul.f32 v20, v20;
	v15 =	vld [tilespmem:s24+$0x80D0];
	s25 =	spop (v2sf)  }
0xbd: {  	v24 =	vsub.f32 v21, v30;
	v28 =	vsub.f32 v21, v19;
	v21 =	vld [tilespmem:s24+$0xC0D0];
	s25 =	sadd.f32 $2.000000030e-01, s25  }
0xbe: {  	v20 =	vsub.f32 v22, v25;
	v19 =	vmul.f32 v27, v27;
	v18 =	vsub.f32 v26, v23;
	v22 =	vld [tilespmem:s24+$0x4070]  }
0xbf: {  	v25 =	vmul.f32 v28, v28;
	v23 =	vld [tilespmem:s24+$0x8050];
	v26 =	vsub.f32 v12, v29;
	s25 =	smax.f32 s25, $0.0e+00;
	s26 =	spop (v2sf)  }
0xc0: {  	v24 =	vmul.f32 v24, v24;
	v12 =	vsub.f32 v12, v13  }
0xc1: {  	v27 =	vld [tilespmem:s24+$0xC050];
	v0 =	vsub.f32 v0, v4;
	v4 =	vmul.f32 v11, v11;
	v14 =	vmul.f32 v14, v14  }
0xc2: {  	v9 =	vmul.f32 v9, v9;
	v7 =	vadd.f32 v7, v20;
	v13 =	vsub.f32 v5, v15  }
0xc3: {  	v15 =	vsub.f32 v24, v25;
	v5 =	vsub.f32 v5, v21  }
0xc4: {  	v4 =	vsub.f32 v9, v4;
	v9 =	vsub.f32 v14, v19  }
0xc5: {  	v11 =	vmul.f32 v26, v26;
	v14 =	vadd.f32 v17, v16;
	v3 =	vsub.f32 v22, v3  }
0xc6: {  	v12 =	vmul.f32 v12, v12;
	v21 =	vsub.f32 v2, v23;
	v2 =	vsub.f32 v2, v27  }
0xc7: {  	v1 =	vsub.f32 v22, v1;
	v13 =	vmul.f32 v13, v13;
	v5 =	vmul.f32 v5, v5  }
0xc8: {  	v11 =	vsub.f32 v11, v12;
	v12 =	vmul.f32 v21, v21;
	v2 =	vmul.f32 v2, v2  }
0xc9: {  	v4 =	vadd.f32 v18, v4;
	v3 =	vmul.f32 v3, v3;
	v1 =	vmul.f32 v1, v1  }
0xca: {  	v5 =	vsub.f32 v13, v5;
	v2 =	vsub.f32 v12, v2  }
0xcb: {  	v0 =	vmul.f32 v0, v0;
	v1 =	vsub.f32 v3, v1;
	v3 =	vadd.f32 v9, v6  }
0xcc: {  	v4 =	vadd.f32 v15, v4;
	v2 =	vadd.f32 v2, v7  }
0xcd: {  	v0 =	vsub.f32 v10, v0;
	v3 =	vadd.f32 v5, v3  }
0xce: {  	v4 =	vadd.f32 v11, v4;
	v1 =	vadd.f32 v1, v2  }
0xcf: {  	v0 =	vadd.f32 v0, v14;
	v2 =	vadd.f32 v8, v3  }
0xd0: {  	v1 =	vadd.f32 v1, v4  }
0xd1: {  	v0 =	vadd.f32 v2, v0  }
0xd2: {  	(xrf2) =	vadd.scan.msk.f32 $0xffff, v1  }
0xd3: {  	(xrf2) =	vadd.scan.msk.f32 $0xffff, v0;
	_ =	sdelay $0x8  }
0xd4: {  	v0, _, _ =	vpop (xrf2)  }
0xd5: {  	(v2sf) =	vpush v0, $0xF;
	v0, _, _ =	vpop (xrf2)  }
0xd6: {  	(v2sf) =	vpush v0, $0xF;
	_ =	sdelay $0x6  }
0xd7: {  	p0 =	seq.s32 s21, $0xF  }
0xd8: {  	s24 =	sadd.s32 @!p0 $0x400, s23;
	s28 =	simm.s32 @!p0 $0x80;
	s29 =	simm.s32 @!p0 $0x4000  }
0xd9: {  	[tilespmem:s29], [sflag:$0x1] =	stream.indirect.gather @!p0 [hbm4b:s1+s28], $0x80, s24, s28, $0xb8;
	[tilespmem:$0x1C080] =	vst v63  }
0xda: {  	s24 =	sadd.s32 @!p0 $0x480, s23;
	s29 =	simm.s32 @!p0 $0x8000  }
0xdb: {  	[tilespmem:s29], [sflag:$0x1] =	stream.indirect.gather @!p0 [hbm4b:s1+s28], $0x80, s24, s28, $0xb8;
	[tilespmem:$0x1C080] =	vst v63  }
0xdc: {  	s23 =	sadd.s32 @!p0 $0x500, s23;
	s24 =	simm.s32 @!p0 $0xC000  }
0xdd: {  	[tilespmem:s24], [sflag:$0x1] =	stream.indirect.gather @!p0 [hbm4b:s1+s28], $0x80, s23, s28, $0xb8;
	[tilespmem:$0x1C080] =	vst v63  }
0xde: {  	s30 =	spop (v2sf)  }
0xdf: {  	s24 =	spop (v2sf)  }
0xe0: {  	_ =	swait.ge [sflag:s18], $0x4000  }
0xe1: {  	[sflag:s18] =	ssyncset.done $0x0  }
0xe2: {  	[sflag:s18] =	ssyncadd.s32 $0xFFFFC000  }
0xe3: {  	_ =	swait.ge [sflag:s18], $0x4000  }
0xe4: {  	[sflag:s18] =	ssyncset.done $0x0  }
0xe5: {  	[sflag:s18] =	ssyncadd.s32 $0xFFFFC000  }
0xe6: {  	_ =	swait.ge [sflag:s18], $0x4000  }
0xe7: {  	[sflag:s18] =	ssyncset.done $0x0  }
0xe8: {  	s31 =	simm.s32 $0x0;
	[sflag:s18] =	ssyncadd.s32 $0xFFFFC000  }
0xe9: {  	v1 =	vld [tilespmem:s31+$0x100E0]  }
0xea: {  	v0 =	vld [tilespmem:s31+$0x140F0]  }
0xeb: {  	v2 =	vld [tilespmem:s31+$0x100F0]  }
0xec: {  	v3 =	vld [tilespmem:s31+$0x140C0]  }
0xed: {  	v4 =	vld [tilespmem:s31+$0x100C0]  }
0xee: {  	v5 =	vld [tilespmem:s31+$0x140A0]  }
0xef: {  	v6 =	vld [tilespmem:s31+$0x18070]  }
0xf0: {  	v7 =	vld [tilespmem:s31+$0x100A0]  }
0xf1: {  	v8 =	vld [tilespmem:s31+$0x18020]  }
0xf2: {  	v9 =	vld [tilespmem:s31+$0x18090]  }
0xf3: {  	v10 =	vld [tilespmem:s31+$0x14090]  }
0xf4: {  	v11 =	vld [tilespmem:s31+$0x10090]  }
0xf5: {  	v12 =	vld [tilespmem:s31+$0x18080]  }
0xf6: {  	v13 =	vld [tilespmem:s31+$0x14080]  }
0xf7: {  	v14 =	vld [tilespmem:s31+$0x10080]  }
0xf8: {  	v15 =	vld [tilespmem:s31+$0x14070]  }
0xf9: {  	v16 =	vld [tilespmem:s31+$0x18030]  }
0xfa: {  	v17 =	vld [tilespmem:s31+$0x10050]  }
0xfb: {  	v18 =	vld [tilespmem:s31+$0x14030]  }
0xfc: {  	v19 =	vld [tilespmem:s31+$0x180E0]  }
0xfd: {  	v20 =	vld [tilespmem:s31+$0x10000]  }
0xfe: {  	v21 =	vld [tilespmem:s31+$0x10030]  }
0xff: {  	v22 =	vld [tilespmem:s31+$0x180F0]  }
0x100: {  	v23 =	vld [tilespmem:s31+$0x14010]  }
0x101: {  	v24 =	vld [tilespmem:s31+$0x100D0]  }
0x102: {  	v25 =	vld [tilespmem:s31+$0x180C0]  }
0x103: {  	v26 =	vld [tilespmem:s31+$0x180B0]  }
0x104: {  	v28 =	vld [tilespmem:s31+$0x180A0]  }
0x105: {  	v27 =	vld [tilespmem:s31+$0x10010]  }
0x106: {  	v29 =	vld [tilespmem:s31+$0x140E0];
	v18 =	vsub.f32 v21, v18;
	v16 =	vsub.f32 v21, v16  }
0x107: {  	v56 =	vld [tilespmem:s31+$0x18010];
	v13 =	vsub.f32 v14, v13;
	v12 =	vsub.f32 v14, v12  }
0x108: {  	v57 =	vld [tilespmem:s31+$0x14060];
	v10 =	vsub.f32 v11, v10;
	v9 =	vsub.f32 v11, v9  }
0x109: {  	s23 =	simm.s32 $0x100;
	v30 =	vld [tilespmem:s31+$0x140D0];
	v5 =	vsub.f32 v7, v5;
	v7 =	vsub.f32 v7, v28  }
0x10a: {  	v58 =	vld [tilespmem:s23+$0x100F0];
	v25 =	vsub.f32 v4, v25;
	v0 =	vsub.f32 v2, v0  }
0x10b: {  	v21 =	vld [tilespmem:s31+$0x140B0];
	v2 =	vsub.f32 v2, v22;
	v23 =	vsub.f32 v27, v23  }
0x10c: {  	v14 =	vld [tilespmem:s31+$0x100B0];
	v3 =	vsub.f32 v4, v3;
	v18 =	vmul.f32 v18, v18;
	v16 =	vmul.f32 v16, v16  }
0x10d: {  	v11 =	vld [tilespmem:s31+$0x14000];
	v27 =	vsub.f32 v27, v56;
	v12 =	vmul.f32 v12, v12;
	v10 =	vmul.f32 v10, v10  }
0x10e: {  	v22 =	vld [tilespmem:s31+$0x10040];
	v29 =	vsub.f32 v1, v29;
	v13 =	vmul.f32 v13, v13;
	v9 =	vmul.f32 v9, v9  }
0x10f: {  	v4 =	vld [tilespmem:s31+$0x18040];
	v19 =	vsub.f32 v1, v19;
	v5 =	vmul.f32 v5, v5;
	v7 =	vmul.f32 v7, v7  }
0x110: {  	v0 =	vmul.f32 v0, v0;
	v2 =	vmul.f32 v2, v2;
	v16 =	vsub.f32 v18, v16;
	v18 =	vld [tilespmem:s31+$0x18000]  }
0x111: {  	v25 =	vmul.f32 v25, v25;
	v3 =	vmul.f32 v3, v3;
	v12 =	vsub.f32 v13, v12;
	v13 =	vld [tilespmem:s31+$0x10020]  }
0x112: {  	v9 =	vsub.f32 v10, v9;
	v10 =	vld [tilespmem:s31+$0x14020];
	v5 =	vsub.f32 v5, v7  }
0x113: {  	v7 =	vld [tilespmem:s31+$0x14040];
	v2 =	vsub.f32 v0, v2;
	v3 =	vsub.f32 v3, v25  }
0x114: {  	v59 =	vld [tilespmem:s23+$0x140E0];
	v0 =	vmul.f32 v23, v23;
	v21 =	vsub.f32 v14, v21;
	v4 =	vsub.f32 v22, v4  }
0x115: {  	v23 =	vmul.f32 v27, v27;
	v11 =	vsub.f32 v20, v11;
	v14 =	vsub.f32 v14, v26;
	v26 =	vld [tilespmem:s31+$0x10070]  }
0x116: {  	v25 =	vld [tilespmem:s31+$0x14050];
	v27 =	vsub.f32 v24, v30;
	v5 =	vadd.f32 v5, v12;
	v4 =	vmul.f32 v4, v4  }
0x117: {  	v12 =	vld [tilespmem:s31+$0x180D0];
	v11 =	vmul.f32 v11, v11;
	v8 =	vsub.f32 v13, v8;
	v10 =	vsub.f32 v13, v10  }
0x118: {  	v21 =	vmul.f32 v21, v21;
	v18 =	vsub.f32 v20, v18;
	v20 =	vld [tilespmem:s31+$0x10060];
	v7 =	vsub.f32 v22, v7  }
0x119: {  	v22 =	vsub.f32 v0, v23;
	v23 =	vld [tilespmem:s31+$0x18050];
	v8 =	vmul.f32 v8, v8;
	v10 =	vmul.f32 v10, v10  }
0x11a: {  	v5 =	vadd.f32 v3, v5;
	v13 =	vld [tilespmem:s31+$0x18060];
	v6 =	vsub.f32 v26, v6;
	v7 =	vmul.f32 v7, v7  }
0x11b: {  	v60 =	vld [tilespmem:s23+$0x18000];
	v18 =	vmul.f32 v18, v18;
	v16 =	vadd.f32 v16, v22;
	v8 =	vsub.f32 v10, v8  }
0x11c: {  	v61 =	vld [tilespmem:s23+$0x18040];
	v3 =	vmul.f32 v27, v27;
	v4 =	vsub.f32 v7, v4;
	v7 =	vsub.f32 v24, v12  }
0x11d: {  	v62 =	vld [tilespmem:s23+$0x14060];
	v6 =	vmul.f32 v6, v6;
	v24 =	vsub.f32 v17, v25;
	v11 =	vsub.f32 v11, v18  }
0x11e: {  	v0 =	vld [tilespmem:s23+$0x100E0];
	v10 =	vmul.f32 v14, v14;
	v14 =	vsub.f32 v20, v57;
	v17 =	vsub.f32 v17, v23  }
0x11f: {  	v22 =	vld [tilespmem:s23+$0x14090];
	v13 =	vsub.f32 v20, v13;
	v24 =	vmul.f32 v24, v24;
	v8 =	vadd.f32 v8, v11  }
0x120: {  	v12 =	vld [tilespmem:s23+$0x140C0];
	v1 =	vmul.f32 v14, v14;
	v14 =	vsub.f32 v26, v15;
	v17 =	vmul.f32 v17, v17  }
0x121: {  	v18 =	vld [tilespmem:s23+$0x100A0];
	v10 =	vsub.f32 v21, v10;
	v7 =	vmul.f32 v7, v7;
	v13 =	vmul.f32 v13, v13  }
0x122: {  	v25 =	vld [tilespmem:s23+$0x180B0];
	v4 =	vadd.f32 v4, v8;
	v14 =	vmul.f32 v14, v14;
	v11 =	vsub.f32 v24, v17  }
0x123: {  	v20 =	vld [tilespmem:s23+$0x140F0];
	v3 =	vsub.f32 v3, v7;
	v13 =	vsub.f32 v1, v13  }
0x124: {  	v23 =	vld [tilespmem:s23+$0x140A0];
	v6 =	vsub.f32 v14, v6;
	v8 =	vadd.f32 v11, v16  }
0x125: {  	v21 =	vld [tilespmem:s23+$0x18020];
	v7 =	vadd.f32 v10, v9;
	v14 =	vmul.f32 v29, v29;
	v11 =	vmul.f32 v19, v19  }
0x126: {  	v15 =	vld [tilespmem:s23+$0x100C0];
	v4 =	vadd.f32 v13, v4;
	v6 =	vadd.f32 v6, v8  }
0x127: {  	v26 =	vld [tilespmem:s23+$0x10010];
	v7 =	vadd.f32 v3, v7;
	v8 =	vsub.f32 v14, v11  }
0x128: {  	v9 =	vld [tilespmem:s23+$0x18080];
	v4 =	vadd.f32 v6, v4  }
0x129: {  	v10 =	vld [tilespmem:s23+$0x14080];
	v5 =	vadd.f32 v8, v5;
	v6 =	vadd.f32 v2, v7  }
0x12a: {  	v1 =	vld [tilespmem:s23+$0x18070];
	(xrf2) =	vadd.scan.msk.f32 $0xffff, v4  }
0x12b: {  	v17 =	vld [tilespmem:s23+$0x18090];
	v5 =	vadd.f32 v6, v5  }
0x12c: {  	v24 =	vld [tilespmem:s23+$0x10090]  }
0x12d: {  	v3 =	vld [tilespmem:s23+$0x14070];
	(xrf2) =	vadd.scan.msk.f32 $0xffff, v5  }
0x12e: {  	v13 =	vld [tilespmem:s23+$0x10030]  }
0x12f: {  	v11 =	vld [tilespmem:s23+$0x10080]  }
0x130: {  	v16 =	vld [tilespmem:s23+$0x14010]  }
0x131: {  	v19 =	vld [tilespmem:s23+$0x180C0]  }
0x132: {  	v7 =	vld [tilespmem:s23+$0x18030]  }
0x133: {  	v6 =	vld [tilespmem:s23+$0x14030]  }
0x134: {  	v23 =	vsub.f32 v18, v23;
	v14 =	vld [tilespmem:s23+$0x180F0];
	v10 =	vsub.f32 v11, v10;
	v27, _, _ =	vpop (xrf2)  }
0x135: {  	v9 =	vsub.f32 v11, v9;
	v11 =	vld [tilespmem:s23+$0x180A0];
	(v2sf) =	vpush v27, $0xF  }
0x136: {  	v22 =	vsub.f32 v24, v22;
	v17 =	vsub.f32 v24, v17;
	v24 =	vld [tilespmem:s23+$0x100B0]  }
0x137: {  	v20 =	vsub.f32 v58, v20;
	v2 =	vld [tilespmem:s23+$0x10050];
	v7 =	vsub.f32 v13, v7;
	v27, _, _ =	vpop (xrf2)  }
0x138: {  	v23 =	vmul.f32 v23, v23;
	v8 =	vld [tilespmem:s23+$0x10000];
	v6 =	vsub.f32 v13, v6;
	(v2sf) =	vpush v27, $0xF  }
0x139: {  	v22 =	vmul.f32 v22, v22;
	v17 =	vmul.f32 v17, v17;
	v19 =	vsub.f32 v15, v19;
	v13 =	vld [tilespmem:s23+$0x140B0]  }
0x13a: {  	v7 =	vmul.f32 v7, v7;
	v11 =	vsub.f32 v18, v11;
	v18 =	vld [tilespmem:s23+$0x18010];
	v6 =	vmul.f32 v6, v6  }
0x13b: {  	v16 =	vsub.f32 v26, v16;
	v15 =	vsub.f32 v15, v12;
	v9 =	vmul.f32 v9, v9;
	v27 =	vld [tilespmem:s23+$0x14000]  }
0x13c: {  	v10 =	vmul.f32 v10, v10;
	v7 =	vsub.f32 v6, v7;
	v6 =	vsub.f32 v22, v17;
	v17 =	vld [tilespmem:s23+$0x10020]  }
0x13d: {  	v25 =	vsub.f32 v24, v25;
	v12 =	vsub.f32 v8, v60;
	v11 =	vmul.f32 v11, v11;
	v22 =	vld [tilespmem:s23+$0x14020]  }
0x13e: {  	v4 =	vld [tilespmem:s23+$0x180E0];
	v31 =	vsub.f32 v10, v9;
	v10 =	vsub.f32 v24, v13  }
0x13f: {  	s26 =	sadd.f32 $2.000000030e-01, s26;
	v13 =	vsub.f32 v58, v14;
	v11 =	vsub.f32 v23, v11;
	v14 =	vmul.f32 v20, v20;
	v20 =	vld [tilespmem:s23+$0x14040]  }
0x140: {  	s22 =	sadd.f32 s25, s22;
	v19 =	vmul.f32 v19, v19;
	v18 =	vsub.f32 v26, v18;
	v9 =	vsub.f32 v8, v27;
	v27 =	vld [tilespmem:s23+$0x10040]  }
0x141: {  	s26 =	smax.f32 s26, $0.0e+00;
	s29 =	sadd.f32 $2.000000030e-01, s30;
	v5 =	vld [tilespmem:s23+$0x100D0];
	v26 =	vmul.f32 v16, v16;
	v28 =	vmul.f32 v13, v13;
	v16 =	vsub.f32 v17, v21  }
0x142: {  	s22 =	sadd.f32 s26, s22;
	v15 =	vmul.f32 v15, v15;
	v23 =	vsub.f32 v0, v59;
	v13 =	vld [tilespmem:s23+$0x10060];
	v17 =	vsub.f32 v17, v22  }
0x143: {  	s24 =	sadd.f32 $2.000000030e-01, s24;
	s30 =	smax.f32 s29, $0.0e+00;
	v18 =	vmul.f32 v18, v18;
	v22 =	vmul.f32 v16, v16;
	v8 =	vsub.f32 v14, v28;
	v14 =	vld [tilespmem:s23+$0x18060]  }
0x144: {  	s22 =	sadd.f32 s30, s22;
	v16 =	vadd.f32 v11, v31;
	v63 =	vmul.f32 v17, v17;
	v17 =	vsub.f32 v15, v19;
	v15 =	vld [tilespmem:s23+$0x140D0];
	s31 =	spop (v2sf)  }
0x145: {  	s24 =	smax.f32 s24, $0.0e+00;
	v21 =	vld [tilespmem:s23+$0x180D0];
	v24 =	vsub.f32 v27, v20;
	v27 =	vsub.f32 v27, v61;
	s25 =	sadd.f32 $2.000000030e-01, s31  }
0x146: {  	s21 =	sadd.s32 $0x1, s21;
	s22 =	sadd.f32 s24, s22;
	v11 =	vmul.f32 v23, v23;
	v20 =	vsub.f32 v26, v18;
	v18 =	vsub.f32 v63, v22;
	v22 =	vld [tilespmem:s23+$0x10070]  }
0x147: {  	s24 =	simm.s32 $0x800;
	v19 =	vmul.f32 v25, v25;
	v23 =	vld [tilespmem:s23+$0x14050];
	v26 =	vsub.f32 v13, v62;
	v25 =	vmul.f32 v27, v27;
	s26 =	spop (v2sf);
	s25 =	smax.f32 s25, $0.0e+00  }
.LBB2_8:
0x148: {  	p0 =	seq.s32 s24, $0xFC00;
	v24 =	vmul.f32 v24, v24;
	v27 =	vld [tilespmem:s23+$0x18050];
	s23 =	sshra.s32 s24, $0x2;
	s24 =	sadd.s32 $0x400, s24;
	v14 =	vsub.f32 v13, v14;
	v4 =	vsub.f32 v0, v4  }
0x149: {  	v28 =	vmul.f32 v12, v12;
	v0 =	vld [tilespmem:s23+$0x100E0];
	v26 =	vmul.f32 v26, v26;
	v29 =	vsub.f32 v5, v15  }
0x14a: {  	v13 =	vld [tilespmem:s23+$0x140F0];
	v24 =	vsub.f32 v24, v25;
	v15 =	vmul.f32 v14, v14;
	v5 =	vsub.f32 v5, v21  }
0x14b: {  	v10 =	vmul.f32 v10, v10;
	s26 =	sadd.f32 $2.000000030e-01, s26;
	v14 =	vld [tilespmem:s23+$0x100F0];
	v3 =	vsub.f32 v22, v3;
	v21 =	vsub.f32 v22, v1  }
0x14c: {  	s22 =	sadd.f32 s25, s22;
	v12 =	vld [tilespmem:s23+$0x140C0];
	v1 =	vsub.f32 v2, v23;
	v22 =	vsub.f32 v26, v15;
	v5 =	vmul.f32 v5, v5  }
0x14d: {  	v9 =	vmul.f32 v9, v9;
	s25 =	smax.f32 s26, $0.0e+00;
	v15 =	vld [tilespmem:s23+$0x100C0];
	v2 =	vsub.f32 v2, v27;
	v3 =	vmul.f32 v3, v3  }
0x14e: {  	v7 =	vadd.f32 v7, v20;
	s22 =	sadd.f32 s25, s22;
	v23 =	vld [tilespmem:s23+$0x140A0];
	v20 =	vmul.f32 v1, v1  }
0x14f: {  	v9 =	vsub.f32 v9, v28;
	v10 =	vsub.f32 v10, v19;
	v1 =	vld [tilespmem:s23+$0x18070];
	v2 =	vmul.f32 v2, v2  }
0x150: {  	v16 =	vadd.f32 v17, v16;
	v4 =	vmul.f32 v4, v4;
	v17 =	vmul.f32 v29, v29;
	v19 =	vld [tilespmem:s23+$0x100A0]  }
0x151: {  	v9 =	vadd.f32 v18, v9;
	v18 =	vmul.f32 v21, v21;
	v25 =	vld [tilespmem:s23+$0x18020];
	v2 =	vsub.f32 v20, v2  }
0x152: {  	v4 =	vsub.f32 v11, v4;
	v5 =	vsub.f32 v17, v5;
	v20 =	vld [tilespmem:s23+$0x18090]  }
0x153: {  	v6 =	vadd.f32 v10, v6;
	v3 =	vsub.f32 v3, v18;
	v11 =	vld [tilespmem:s23+$0x14090]  }
0x154: {  	v9 =	vadd.f32 v24, v9;
	v2 =	vadd.f32 v2, v7;
	v10 =	vld [tilespmem:s23+$0x10090]  }
0x155: {  	v4 =	vadd.f32 v4, v16;
	v5 =	vadd.f32 v5, v6;
	v7 =	vld [tilespmem:s23+$0x18080]  }
0x156: {  	v9 =	vadd.f32 v22, v9;
	v2 =	vadd.f32 v3, v2;
	v6 =	vld [tilespmem:s23+$0x14080]  }
0x157: {  	v5 =	vadd.f32 v8, v5;
	v16 =	vld [tilespmem:s23+$0x10080]  }
0x158: {  	v8 =	vadd.f32 v2, v9;
	v3 =	vld [tilespmem:s23+$0x14070]  }
0x159: {  	v5 =	vadd.f32 v5, v4;
	v9 =	vld [tilespmem:s23+$0x18030]  }
0x15a: {  	v2 =	vld [tilespmem:s23+$0x10050];
	(xrf2) =	vadd.scan.msk.f32 $0xffff, v8  }
0x15b: {  	v8 =	vld [tilespmem:s23+$0x14030]  }
0x15c: {  	v4 =	vld [tilespmem:s23+$0x180E0]  }
0x15d: {  	v17 =	vld [tilespmem:s23+$0x10000];
	(xrf2) =	vadd.scan.msk.f32 $0xffff, v5  }
0x15e: {  	v18 =	vld [tilespmem:s23+$0x10030]  }
0x15f: {  	v21 =	vld [tilespmem:s23+$0x180F0]  }
0x160: {  	v22 =	vld [tilespmem:s23+$0x14010]  }
0x161: {  	v6 =	vsub.f32 v16, v6;
	v5 =	vld [tilespmem:s23+$0x100D0]  }
0x162: {  	v7 =	vsub.f32 v16, v7;
	v16 =	vld [tilespmem:s23+$0x180C0]  }
0x163: {  	v8 =	vsub.f32 v18, v8;
	v9 =	vsub.f32 v18, v9;
	v18 =	vld [tilespmem:s23+$0x180B0]  }
0x164: {  	v29 =	vsub.f32 v10, v11;
	v26 =	vmul.f32 v7, v7;
	v24 =	vld [tilespmem:s23+$0x10010];
	v11, _, _ =	vpop (xrf2)  }
0x165: {  	v10 =	vsub.f32 v10, v20;
	v8 =	vmul.f32 v8, v8;
	v20 =	vld [tilespmem:s23+$0x180A0];
	(v2sf) =	vpush v11, $0xF  }
0x166: {  	v9 =	vmul.f32 v9, v9;
	v11 =	vmul.f32 v29, v29;
	v27 =	vld [tilespmem:s23+$0x140B0]  }
0x167: {  	v23 =	vsub.f32 v19, v23;
	v10 =	vmul.f32 v10, v10;
	v28 =	vld [tilespmem:s23+$0x100B0];
	v7, _, _ =	vpop (xrf2)  }
0x168: {  	v6 =	vmul.f32 v6, v6;
	v16 =	vsub.f32 v15, v16;
	v29 =	vld [tilespmem:s23+$0x140E0];
	(v2sf) =	vpush v7, $0xF  }
0x169: {  	v7 =	vsub.f32 v8, v9;
	v8 =	vmul.f32 v23, v23;
	v30 =	vld [tilespmem:s23+$0x14000];
	v22 =	vsub.f32 v24, v22  }
0x16a: {  	v26 =	vsub.f32 v6, v26;
	v23 =	vld [tilespmem:s23+$0x18000];
	v9 =	vsub.f32 v19, v20  }
0x16b: {  	v6 =	vsub.f32 v11, v10;
	v19 =	vld [tilespmem:s23+$0x18010]  }
0x16c: {  	v13 =	vsub.f32 v14, v13;
	v31 =	vmul.f32 v16, v16;
	v20 =	vld [tilespmem:s23+$0x10020];
	v11 =	vmul.f32 v9, v9  }
0x16d: {  	v14 =	vsub.f32 v14, v21;
	v10 =	vsub.f32 v28, v27;
	v16 =	vld [tilespmem:s23+$0x14020]  }
0x16e: {  	v9 =	vsub.f32 v17, v30;
	v21 =	vld [tilespmem:s23+$0x10040];
	v27 =	vsub.f32 v8, v11;
	v8 =	vmul.f32 v13, v13  }
0x16f: {  	v14 =	vmul.f32 v14, v14;
	v15 =	vsub.f32 v15, v12;
	v11 =	vsub.f32 v0, v29;
	v30 =	vld [tilespmem:s23+$0x14040]  }
0x170: {  	v12 =	vsub.f32 v17, v23;
	v17 =	vsub.f32 v24, v19;
	v19 =	vld [tilespmem:s23+$0x18040]  }
0x171: {  	v22 =	vmul.f32 v22, v22;
	v11 =	vmul.f32 v11, v11;
	v23 =	vsub.f32 v20, v25;
	v13 =	vld [tilespmem:s23+$0x10060]  }
0x172: {  	v15 =	vmul.f32 v15, v15;
	v8 =	vsub.f32 v8, v14;
	v20 =	vsub.f32 v20, v16;
	v29 =	vld [tilespmem:s23+$0x14060]  }
.Ltmp2:
0x173: {  	v25 =	vmul.f32 v17, v17;
	v16 =	vadd.f32 v27, v26;
	v23 =	vmul.f32 v23, v23;
	v14 =	vld [tilespmem:s23+$0x18060];
	(pc) =	sbr.rel @!p0 .LBB2_8-.Ltmp2, $4  }
0x174: {  	v27 =	vsub.f32 v28, v18;
	v17 =	vsub.f32 v15, v31;
	v26 =	vmul.f32 v20, v20;
	v15 =	vld [tilespmem:s23+$0x140D0];
	s25 =	spop (v2sf)  }
0x175: {  	v24 =	vsub.f32 v21, v30;
	v28 =	vsub.f32 v21, v19;
	v21 =	vld [tilespmem:s23+$0x180D0];
	s25 =	sadd.f32 $2.000000030e-01, s25  }
0x176: {  	v20 =	vsub.f32 v22, v25;
	v19 =	vmul.f32 v27, v27;
	v18 =	vsub.f32 v26, v23;
	v22 =	vld [tilespmem:s23+$0x10070]  }
0x177: {  	v25 =	vmul.f32 v28, v28;
	v23 =	vld [tilespmem:s23+$0x14050];
	v26 =	vsub.f32 v13, v29;
	s25 =	smax.f32 s25, $0.0e+00;
	s26 =	spop (v2sf)  }
0x178: {  	v24 =	vmul.f32 v24, v24;
	v27 =	vld [tilespmem:s23+$0x18050];
	v13 =	vsub.f32 v13, v14;
	v0 =	vsub.f32 v0, v4  }
0x179: {  	v49 =	vmul.f32 v12, v12;
	v10 =	vmul.f32 v10, v10;
	v7 =	vadd.f32 v7, v20  }
0x17a: {  	v9 =	vmul.f32 v9, v9;
	v59 =	vadd.f32 v17, v16;
	v51 =	vsub.f32 v5, v15  }
0x17b: {  	v52 =	vsub.f32 v24, v25;
	v53 =	vsub.f32 v5, v21  }
0x17c: {  	v50 =	vmul.f32 v26, v26;
	v4 =	vsub.f32 v9, v49;
	v57 =	vsub.f32 v10, v19  }
0x17d: {  	v13 =	vmul.f32 v13, v13;
	v54 =	vsub.f32 v2, v23;
	v55 =	vsub.f32 v2, v27  }
0x17e: {  	v3 =	vsub.f32 v22, v3;
	v1 =	vsub.f32 v22, v1;
	v58 =	vmul.f32 v51, v51  }
0x17f: {  	v12 =	vsub.f32 v50, v13;
	v56 =	vmul.f32 v54, v54;
	v2 =	vmul.f32 v55, v55  }
0x180: {  	v5 =	vmul.f32 v53, v53;
	v4 =	vadd.f32 v18, v4;
	v60 =	vadd.f32 v57, v6  }
0x181: {  	v3 =	vmul.f32 v3, v3;
	v1 =	vmul.f32 v1, v1;
	v2 =	vsub.f32 v56, v2  }
0x182: {  	v0 =	vmul.f32 v0, v0;
	v5 =	vsub.f32 v58, v5;
	v4 =	vadd.f32 v52, v4  }
0x183: {  	v1 =	vsub.f32 v3, v1;
	v2 =	vadd.f32 v2, v7  }
0x184: {  	v0 =	vsub.f32 v11, v0;
	v3 =	vadd.f32 v5, v60  }
0x185: {  	v4 =	vadd.f32 v12, v4;
	v1 =	vadd.f32 v1, v2  }
0x186: {  	v0 =	vadd.f32 v0, v59  }
0x187: {  	v61 =	vadd.f32 v8, v3;
	v1 =	vadd.f32 v1, v4;
	_ =	sdelay $0x1  }
0x188: {  	v0 =	vadd.f32 v61, v0;
	(xrf2) =	vadd.scan.msk.f32 $0xffff, v1;
	_ =	sdelay $0x1  }
0x189: {  	(xrf2) =	vadd.scan.msk.f32 $0xffff, v0;
	_ =	sdelay $0x7  }
0x18a: {  	v62, _, _ =	vpop (xrf2)  }
0x18b: {  	(v2sf) =	vpush v62, $0xF  }
0x18c: {  	v63, _, _ =	vpop (xrf2)  }
0x18d: {  	(v2sf) =	vpush v63, $0xF;
	_ =	sdelay $0xb  }
0x18e: {  	s30 =	sadd.f32 $2.000000030e-01, s26  }
0x18f: {  	s22 =	sadd.f32 s25, s22;
	s24 =	spop (v2sf)  }
0x190: {  	s23 =	smax.f32 s30, $0.0e+00;
	s24 =	sadd.f32 $2.000000030e-01, s24  }
0x191: {  	s22 =	sadd.f32 s23, s22;
	s31 =	spop (v2sf)  }
0x192: {  	s23 =	sadd.f32 $2.000000030e-01, s31;
	s24 =	smax.f32 s24, $0.0e+00  }
0x193: {  	s22 =	sadd.f32 s24, s22  }
0x194: {  	s23 =	smax.f32 s23, $0.0e+00  }
0x195: {  	s22 =	sadd.f32 s23, s22  }
0x196: {  	p0 =	seq.s32 s21, $0x10  }
.Ltmp3:
0x197: {  	_ = 	snop;
	(pc) =	sbr.rel @!p0 .LBB2_5-.Ltmp3, $1  }
0x198: {  	_ =	sdelay $0x3  }
0x199: {  	v0 =	vmov s22;
	s20 =	sadd.s32 $0x1, s20  }
0x19a: {  	v0 =	vnsel vm0, $0x0, v0;
	p0 =	sne.s32 s20, s7  }
.Ltmp4:
0x19b: {  	[tilespmem:$0x1C000] =	vst v0;
	(pc) =	sbr.rel @p0 .LBB2_1-.Ltmp4, $4  }
0x19c: {  	[hbm4b:s6+s3] =	stream.linear.scatter [tilespmem:s19], [sflag:$0x3], $0x80, $0x38;
	[tilespmem:$0x1C080] =	vst v63  }
0x19d: {  	_ =	swait.ge [sflag:s8], $0x80  }
0x19e: {  	[sflag:s8] =	ssyncset.done $0x0  }
0x19f: {  	[sflag:s8] =	ssyncadd.s32 $0xFFFFFF80  }
0x1a0: {  	_ =	sfence.sel $0x180000  }
0x1a1: {  	[bflag:$0x0] =	sbarrier.arrive $0xFFFF  }
0x1a2: {  	p0 =	sne.s32 s0, $0x0;
	_ =	strace $0x90000047  }
0x1a3: {  	s0 =	sadd.s32 @!p0 $0x100000, s2;
	[bflag:$0x2] =	sbarrier.arrive $0xFFFF  }
0x1a4: {  	[sflag:s0] =	ssyncadd.tile.s32 @!p0 $0x1;
	_ =	shalt  }
.Lfunc_end2:
_tile_overlayer_lowered:
.L_overlay_start_2:
0x1a5: {  	(tag) =	ssettag $0x2  }
0x1a6: {  	s0 =	rddreg [dreg:$0x0];
	s2 =	stileid.u32  }
0x1a7: {  	s1 =	rddreg [dreg:$0x1];
	p0 =	sne.s32 s2, $0x0  }
0x1a8: {  	s3 =	rddreg [dreg:$0x2];
	[bflag:$0x3] =	sbarrier.arrive $0xFFFF;
	s2 =	simm.s32 @!p0 $0x1C03  }
0x1a9: {  	[timem:s3], [sflag:s2] =	dma.local @!p0 [hbm:s0], s1  }
0x1aa: {  	s0 =	simm.s32 @!p0 $0x3  }
0x1ab: {  	_ =	swait.ge @!p0 [sflag:s0], s1  }
0x1ac: {  	s1 =	ssub.s32 @!p0 $0x0, s1;
	[sflag:s0] =	ssyncset.done @!p0 $0x0  }
0x1ad: {  	[sflag:s0] =	ssyncadd.s32 @!p0 s1  }
0x1ae: {  	[bflag:$0x3] =	sbarrier.arrive $0xFFFF  }
0x1af: {  	_ =	shalt  }

</sc_bundles>
